<compile_context>
chip_gen: v7x
topology: tpu7x:2x2x1
jax: 0.10.2.dev20260603
libtpu: 0.0.44.dev20260713+nightly
codegen_flags: <defaults>
</compile_context>

<pallas_src>
import functools

import jax
import jax.numpy as jnp
from jax import lax
from jax.experimental import pallas as pl
from jax.experimental.pallas import tpu as pltpu
from jax.experimental.pallas import tpu_sc as plsc

B, N, D = 4096, 128, 64
SC_B = 2048
NC, NS, L = 2, 16, 16
NW = NC * NS
PER_W = SC_B // NW
CH = 1
SLAB = N * D
CHW = CH * SLAB
ROWS = CHW // N
NCHUNK = PER_W // CH
TB = 32


def _sc_body(p_hbm, g_hbm, m_hbm, out_hbm,
             pb0, gb0, mb0, pb1, gb1, mb1, pb2, gb2, mb2, pb3, gb3, mb3,
             accbuf, sem0, sem1, sem2, sem3):
    c = lax.axis_index("c")
    s = lax.axis_index("s")
    wid = s * NC + c
    base = wid * (PER_W * SLAB)
    bufs = ((pb0, gb0, mb0, sem0), (pb1, gb1, mb1, sem1),
            (pb2, gb2, mb2, sem2), (pb3, gb3, mb3, sem3))

    def start(ci, slot):
        pb, gb, mb, sem = bufs[slot]
        off = base + ci * CHW
        pltpu.async_copy(p_hbm.at[pl.ds(off, CHW)], pb, sem)
        pltpu.async_copy(g_hbm.at[pl.ds(off, CHW)], gb, sem)
        pltpu.async_copy(m_hbm.at[pl.ds(off, CHW)], mb, sem)

    def drain(slot):
        pb, gb, mb, sem = bufs[slot]
        pltpu.make_async_copy(p_hbm.at[pl.ds(0, CHW)], pb, sem).wait()
        pltpu.make_async_copy(g_hbm.at[pl.ds(0, CHW)], gb, sem).wait()
        pltpu.make_async_copy(m_hbm.at[pl.ds(0, CHW)], mb, sem).wait()

    def compute_chunk(slot, acc):
        pb, gb, mb, _ = bufs[slot]

        def row_body(r, a):
            rb = r * N
            for k in range(N // L):
                pos = rb + k * L
                pv = pb[pl.ds(pos, L)]
                gv = gb[pl.ds(pos, L)]
                iv = mb[pl.ds(pos, L)]
                e = pv - gv
                t = e * jnp.abs(e)
                addr = rb + iv
                pg = plsc.load_gather(pb, [addr])
                gg = plsc.load_gather(gb, [addr])
                a = a + t * jnp.sign(pg - gg)
            return a

        return lax.fori_loop(0, ROWS, row_body, acc)

    for slot in range(4):
        start(slot, slot)

    def ring_body(cj, acc):
        for slot in range(4):
            ci = cj * 4 + slot
            drain(slot)
            acc = compute_chunk(slot, acc)

            @pl.when(ci + 4 < NCHUNK)
            def _():
                start(ci + 4, slot)
        return acc

    acc = lax.fori_loop(0, NCHUNK // 4, ring_body, jnp.zeros((L,), jnp.float32))
    accbuf[...] = acc
    pltpu.sync_copy(accbuf, out_hbm.at[wid])


_sc_call = functools.partial(
    pl.kernel,
    mesh=plsc.VectorSubcoreMesh(core_axis_name="c", subcore_axis_name="s"),
    out_type=jax.ShapeDtypeStruct((NW, L), jnp.float32),
    compiler_params=pltpu.CompilerParams(needs_layout_passes=False),
    scratch_types=[
        pltpu.VMEM((CHW,), jnp.float32),
        pltpu.VMEM((CHW,), jnp.float32),
        pltpu.VMEM((CHW,), jnp.int32),
        pltpu.VMEM((CHW,), jnp.float32),
        pltpu.VMEM((CHW,), jnp.float32),
        pltpu.VMEM((CHW,), jnp.int32),
        pltpu.VMEM((CHW,), jnp.float32),
        pltpu.VMEM((CHW,), jnp.float32),
        pltpu.VMEM((CHW,), jnp.int32),
        pltpu.VMEM((CHW,), jnp.float32),
        pltpu.VMEM((CHW,), jnp.float32),
        pltpu.VMEM((CHW,), jnp.int32),
        pltpu.VMEM((L,), jnp.float32),
        pltpu.SemaphoreType.DMA,
        pltpu.SemaphoreType.DMA,
        pltpu.SemaphoreType.DMA,
        pltpu.SemaphoreType.DMA,
    ],
)(_sc_body)


def _tc_body(p_ref, g_ref, m_ref, o_ref, acc_ref):
    i = pl.program_id(0)

    @pl.when(i == 0)
    def _():
        acc_ref[...] = jnp.zeros_like(acc_ref)

    p = p_ref[...].reshape(TB * D, N)
    g = g_ref[...].reshape(TB * D, N)
    m = m_ref[...].reshape(TB * D, N)
    e = p - g
    t = e * jnp.abs(e)
    s = jnp.sign(e)
    gs = jnp.take_along_axis(s, m, axis=-1)
    acc_ref[...] += jnp.sum(t * gs, axis=0, keepdims=True)

    @pl.when(i == pl.num_programs(0) - 1)
    def _():
        o_ref[...] = acc_ref[...]


_tc_call = pl.pallas_call(
    _tc_body,
    grid=((B - SC_B) // TB,),
    in_specs=[
        pl.BlockSpec((TB, D, N), lambda i: (SC_B // TB + i, 0, 0)),
        pl.BlockSpec((TB, D, N), lambda i: (SC_B // TB + i, 0, 0)),
        pl.BlockSpec((TB, D, N), lambda i: (SC_B // TB + i, 0, 0)),
    ],
    out_specs=pl.BlockSpec((1, N), lambda i: (0, 0)),
    out_shape=jax.ShapeDtypeStruct((1, N), jnp.float32),
    scratch_shapes=[pltpu.VMEM((1, N), jnp.float32)],
    compiler_params=pltpu.CompilerParams(
        dimension_semantics=("arbitrary",),
    ),
)


@jax.jit
def kernel(predictions, ground_truth, anchor_masks):
    p3 = jnp.transpose(predictions, (0, 2, 1))
    g3 = jnp.transpose(ground_truth, (0, 2, 1))
    m3 = jnp.transpose(anchor_masks.astype(jnp.int32), (0, 2, 1))
    sc_partials = _sc_call(p3.reshape(-1), g3.reshape(-1), m3.reshape(-1))
    tc_partials = _tc_call(p3, g3, m3)
    total = jnp.sum(sc_partials) + jnp.sum(tc_partials)
    return total / (B * N * D)

# --- scband reference (transcript-rebuilt; emitter-appended) ---
"""Pipeline reference for scband-adjusted-constraint-loss-25477746000433 (READ-ONLY COPY).

The authoritative reference and input builder live on the scoring server;
editing this copy changes nothing except your own understanding.
"""

import jax, jax.numpy as jnp
import numpy as np

B, N, D = 4096, 128, 64

def setup_inputs(seed: int = 0) -> dict:
    key = jax.random.key(seed)
    k1, k2, k3 = jax.random.split(key, 3)
    predictions = jax.random.normal(k1, (B, N, D), dtype=jnp.float32)
    ground_truth = jax.random.normal(k2, (B, N, D), dtype=jnp.float32)
    anchor_masks = jax.random.randint(k3, (B, N, D), 0, N).astype(jnp.int64)
    return {"predictions": predictions, "ground_truth": ground_truth, "anchor_masks": anchor_masks}

def reference(predictions, ground_truth, anchor_masks):
    # 3D input path of AdjustedConstraintLoss with reduction='mean'
    prediction_errors = predictions - ground_truth
    squared_errors = prediction_errors ** 2
    error_signs = jnp.sign(prediction_errors)
    has_constraint_correction = anchor_masks > -1
    anchor_error_signs = jnp.where(has_constraint_correction, error_signs, jnp.ones_like(error_signs))
    safe_mask_indices = jnp.where(has_constraint_correction, anchor_masks, jnp.zeros_like(anchor_masks))
    mask_error_signs = jnp.take_along_axis(error_signs, safe_mask_indices, axis=1)
    mask_error_signs = jnp.where(has_constraint_correction, mask_error_signs, jnp.ones_like(mask_error_signs))
    anchor_error_signs = jnp.where(has_constraint_correction, anchor_error_signs, jnp.ones_like(anchor_error_signs))
    adjusted_loss = squared_errors * anchor_error_signs * mask_error_signs
    return jnp.mean(adjusted_loss)

if __name__ == "__main__":
    import jax
    _d = setup_inputs()
    print(jax.jit(kernel)(*tuple(_d.values())))

</pallas_src>

<mosaic_0001>
#map = affine_map<(d0, d1) -> (0)>
#map1 = affine_map<(d0, d1) -> (0, 0)>
module attributes {stable_mosaic.version = 14 : i64} {
  func.func @_sc_body(%arg0: i32, %arg1: i32, %arg2: memref<33554432xf32, #tpu.memory_space<hbm>>, %arg3: memref<33554432xf32, #tpu.memory_space<hbm>>, %arg4: memref<33554432xi32, #tpu.memory_space<hbm>>, %arg5: memref<32x16xf32, #tpu.memory_space<hbm>>, %arg6: memref<8192xf32, #tpu.memory_space<vmem>>, %arg7: memref<8192xf32, #tpu.memory_space<vmem>>, %arg8: memref<8192xi32, #tpu.memory_space<vmem>>, %arg9: memref<8192xf32, #tpu.memory_space<vmem>>, %arg10: memref<8192xf32, #tpu.memory_space<vmem>>, %arg11: memref<8192xi32, #tpu.memory_space<vmem>>, %arg12: memref<8192xf32, #tpu.memory_space<vmem>>, %arg13: memref<8192xf32, #tpu.memory_space<vmem>>, %arg14: memref<8192xi32, #tpu.memory_space<vmem>>, %arg15: memref<8192xf32, #tpu.memory_space<vmem>>, %arg16: memref<8192xf32, #tpu.memory_space<vmem>>, %arg17: memref<8192xi32, #tpu.memory_space<vmem>>, %arg18: memref<16xf32, #tpu.memory_space<vmem>>, %arg19: memref<!tpu.dma_semaphore, #tpu.memory_space<semaphore_mem>>, %arg20: memref<!tpu.dma_semaphore, #tpu.memory_space<semaphore_mem>>, %arg21: memref<!tpu.dma_semaphore, #tpu.memory_space<semaphore_mem>>, %arg22: memref<!tpu.dma_semaphore, #tpu.memory_space<semaphore_mem>>) attributes {dimension_semantics = [#tpu.dimension_semantics<core_parallel>, #tpu.dimension_semantics<subcore_parallel>], iteration_bounds = array<i64: 2, 16>, scalar_prefetch = 0 : i64, scratch_operands = 17 : i64, tpu.core_type = #tpu.core_type<sc_vector_subcore>, window_params = [{transform_indices = #map}, {transform_indices = #map}, {transform_indices = #map}, {transform_indices = #map1}]} {
    %mul3A = arith.constant 2 : i32
    %mul3A_0 = arith.muli %arg1, %mul3A : i32
    %add3A = arith.addi %mul3A_0, %arg0 : i32
    %mul3A_1 = arith.constant 524288 : i32
    %mul3A_2 = arith.muli %add3A, %mul3A_1 : i32
    %add3A_3 = arith.constant 0 : i32
    %add3A_4 = arith.addi %mul3A_2, %add3A_3 : i32
    %dma_start3A = tpu.memref_slice %arg2[%add3A_4] : memref<33554432xf32, #tpu.memory_space<hbm>> -> memref<8192xf32, #tpu.memory_space<hbm>>
    %dma_start3A_5 = tpu.memref_slice %arg2[%add3A_4] : memref<33554432xf32, #tpu.memory_space<hbm>> -> memref<8192xf32, #tpu.memory_space<hbm>>
    tpu.enqueue_dma source(%dma_start3A_5 : memref<8192xf32, #tpu.memory_space<hbm>>) target(%arg6 : memref<8192xf32, #tpu.memory_space<vmem>>) target_semaphore(%arg19 : memref<!tpu.dma_semaphore, #tpu.memory_space<semaphore_mem>>)
    %dma_start3A_6 = tpu.memref_slice %arg3[%add3A_4] : memref<33554432xf32, #tpu.memory_space<hbm>> -> memref<8192xf32, #tpu.memory_space<hbm>>
    %dma_start3A_7 = tpu.memref_slice %arg3[%add3A_4] : memref<33554432xf32, #tpu.memory_space<hbm>> -> memref<8192xf32, #tpu.memory_space<hbm>>
    tpu.enqueue_dma source(%dma_start3A_7 : memref<8192xf32, #tpu.memory_space<hbm>>) target(%arg7 : memref<8192xf32, #tpu.memory_space<vmem>>) target_semaphore(%arg19 : memref<!tpu.dma_semaphore, #tpu.memory_space<semaphore_mem>>)
    %dma_start3A_8 = tpu.memref_slice %arg4[%add3A_4] : memref<33554432xi32, #tpu.memory_space<hbm>> -> memref<8192xi32, #tpu.memory_space<hbm>>
    %dma_start3A_9 = tpu.memref_slice %arg4[%add3A_4] : memref<33554432xi32, #tpu.memory_space<hbm>> -> memref<8192xi32, #tpu.memory_space<hbm>>
    tpu.enqueue_dma source(%dma_start3A_9 : memref<8192xi32, #tpu.memory_space<hbm>>) target(%arg8 : memref<8192xi32, #tpu.memory_space<vmem>>) target_semaphore(%arg19 : memref<!tpu.dma_semaphore, #tpu.memory_space<semaphore_mem>>)
    %add3A_10 = arith.constant 8192 : i32
    %add3A_11 = arith.addi %mul3A_2, %add3A_10 : i32
    %dma_start3A_12 = tpu.memref_slice %arg2[%add3A_11] : memref<33554432xf32, #tpu.memory_space<hbm>> -> memref<8192xf32, #tpu.memory_space<hbm>>
    %dma_start3A_13 = tpu.memref_slice %arg2[%add3A_11] : memref<33554432xf32, #tpu.memory_space<hbm>> -> memref<8192xf32, #tpu.memory_space<hbm>>
    tpu.enqueue_dma source(%dma_start3A_13 : memref<8192xf32, #tpu.memory_space<hbm>>) target(%arg9 : memref<8192xf32, #tpu.memory_space<vmem>>) target_semaphore(%arg20 : memref<!tpu.dma_semaphore, #tpu.memory_space<semaphore_mem>>)
    %dma_start3A_14 = tpu.memref_slice %arg3[%add3A_11] : memref<33554432xf32, #tpu.memory_space<hbm>> -> memref<8192xf32, #tpu.memory_space<hbm>>
    %dma_start3A_15 = tpu.memref_slice %arg3[%add3A_11] : memref<33554432xf32, #tpu.memory_space<hbm>> -> memref<8192xf32, #tpu.memory_space<hbm>>
    tpu.enqueue_dma source(%dma_start3A_15 : memref<8192xf32, #tpu.memory_space<hbm>>) target(%arg10 : memref<8192xf32, #tpu.memory_space<vmem>>) target_semaphore(%arg20 : memref<!tpu.dma_semaphore, #tpu.memory_space<semaphore_mem>>)
    %dma_start3A_16 = tpu.memref_slice %arg4[%add3A_11] : memref<33554432xi32, #tpu.memory_space<hbm>> -> memref<8192xi32, #tpu.memory_space<hbm>>
    %dma_start3A_17 = tpu.memref_slice %arg4[%add3A_11] : memref<33554432xi32, #tpu.memory_space<hbm>> -> memref<8192xi32, #tpu.memory_space<hbm>>
    tpu.enqueue_dma source(%dma_start3A_17 : memref<8192xi32, #tpu.memory_space<hbm>>) target(%arg11 : memref<8192xi32, #tpu.memory_space<vmem>>) target_semaphore(%arg20 : memref<!tpu.dma_semaphore, #tpu.memory_space<semaphore_mem>>)
    %add3A_18 = arith.constant 16384 : i32
    %add3A_19 = arith.addi %mul3A_2, %add3A_18 : i32
    %dma_start3A_20 = tpu.memref_slice %arg2[%add3A_19] : memref<33554432xf32, #tpu.memory_space<hbm>> -> memref<8192xf32, #tpu.memory_space<hbm>>
    %dma_start3A_21 = tpu.memref_slice %arg2[%add3A_19] : memref<33554432xf32, #tpu.memory_space<hbm>> -> memref<8192xf32, #tpu.memory_space<hbm>>
    tpu.enqueue_dma source(%dma_start3A_21 : memref<8192xf32, #tpu.memory_space<hbm>>) target(%arg12 : memref<8192xf32, #tpu.memory_space<vmem>>) target_semaphore(%arg21 : memref<!tpu.dma_semaphore, #tpu.memory_space<semaphore_mem>>)
    %dma_start3A_22 = tpu.memref_slice %arg3[%add3A_19] : memref<33554432xf32, #tpu.memory_space<hbm>> -> memref<8192xf32, #tpu.memory_space<hbm>>
    %dma_start3A_23 = tpu.memref_slice %arg3[%add3A_19] : memref<33554432xf32, #tpu.memory_space<hbm>> -> memref<8192xf32, #tpu.memory_space<hbm>>
    tpu.enqueue_dma source(%dma_start3A_23 : memref<8192xf32, #tpu.memory_space<hbm>>) target(%arg13 : memref<8192xf32, #tpu.memory_space<vmem>>) target_semaphore(%arg21 : memref<!tpu.dma_semaphore, #tpu.memory_space<semaphore_mem>>)
    %dma_start3A_24 = tpu.memref_slice %arg4[%add3A_19] : memref<33554432xi32, #tpu.memory_space<hbm>> -> memref<8192xi32, #tpu.memory_space<hbm>>
    %dma_start3A_25 = tpu.memref_slice %arg4[%add3A_19] : memref<33554432xi32, #tpu.memory_space<hbm>> -> memref<8192xi32, #tpu.memory_space<hbm>>
    tpu.enqueue_dma source(%dma_start3A_25 : memref<8192xi32, #tpu.memory_space<hbm>>) target(%arg14 : memref<8192xi32, #tpu.memory_space<vmem>>) target_semaphore(%arg21 : memref<!tpu.dma_semaphore, #tpu.memory_space<semaphore_mem>>)
    %add3A_26 = arith.constant 24576 : i32
    %add3A_27 = arith.addi %mul3A_2, %add3A_26 : i32
    %dma_start3A_28 = tpu.memref_slice %arg2[%add3A_27] : memref<33554432xf32, #tpu.memory_space<hbm>> -> memref<8192xf32, #tpu.memory_space<hbm>>
    %dma_start3A_29 = tpu.memref_slice %arg2[%add3A_27] : memref<33554432xf32, #tpu.memory_space<hbm>> -> memref<8192xf32, #tpu.memory_space<hbm>>
    tpu.enqueue_dma source(%dma_start3A_29 : memref<8192xf32, #tpu.memory_space<hbm>>) target(%arg15 : memref<8192xf32, #tpu.memory_space<vmem>>) target_semaphore(%arg22 : memref<!tpu.dma_semaphore, #tpu.memory_space<semaphore_mem>>)
    %dma_start3A_30 = tpu.memref_slice %arg3[%add3A_27] : memref<33554432xf32, #tpu.memory_space<hbm>> -> memref<8192xf32, #tpu.memory_space<hbm>>
    %dma_start3A_31 = tpu.memref_slice %arg3[%add3A_27] : memref<33554432xf32, #tpu.memory_space<hbm>> -> memref<8192xf32, #tpu.memory_space<hbm>>
    tpu.enqueue_dma source(%dma_start3A_31 : memref<8192xf32, #tpu.memory_space<hbm>>) target(%arg16 : memref<8192xf32, #tpu.memory_space<vmem>>) target_semaphore(%arg22 : memref<!tpu.dma_semaphore, #tpu.memory_space<semaphore_mem>>)
    %dma_start3A_32 = tpu.memref_slice %arg4[%add3A_27] : memref<33554432xi32, #tpu.memory_space<hbm>> -> memref<8192xi32, #tpu.memory_space<hbm>>
    %dma_start3A_33 = tpu.memref_slice %arg4[%add3A_27] : memref<33554432xi32, #tpu.memory_space<hbm>> -> memref<8192xi32, #tpu.memory_space<hbm>>
    tpu.enqueue_dma source(%dma_start3A_33 : memref<8192xi32, #tpu.memory_space<hbm>>) target(%arg17 : memref<8192xi32, #tpu.memory_space<vmem>>) target_semaphore(%arg22 : memref<!tpu.dma_semaphore, #tpu.memory_space<semaphore_mem>>)
    %broadcast_in_dim3A = arith.constant 0.000000e+00 : f32
    %broadcast_in_dim3A_34 = vector.broadcast %broadcast_in_dim3A : f32 to vector<16xf32>
    %scan3A = arith.constant 0 : i32
    %scan3A_35 = arith.constant 16 : i32
    %scan3A_36 = arith.addi %scan3A, %scan3A_35 : i32
    %scan3A_37 = arith.constant 1 : i32
    %scan3A_38 = scf.for %scan3A_41 = %scan3A to %scan3A_36 step %scan3A_37 iter_args(%scan3A_42 = %broadcast_in_dim3A_34) -> (vector<16xf32>)  : i32 {
      %mul3A_43 = arith.constant 4 : i32
      %mul3A_44 = arith.muli %scan3A_41, %mul3A_43 : i32
      %add3A_45 = arith.constant 0 : i32
      %add3A_46 = arith.addi %mul3A_44, %add3A_45 : i32
      %dma_wait3A = arith.constant 0 : i32
      %dma_wait3A_47 = tpu.memref_slice %arg2[%dma_wait3A] : memref<33554432xf32, #tpu.memory_space<hbm>> -> memref<8192xf32, #tpu.memory_space<hbm>>
      %dma_wait3A_48 = arith.constant 0 : i32
      %dma_wait3A_49 = tpu.memref_slice %arg2[%dma_wait3A_48] : memref<33554432xf32, #tpu.memory_space<hbm>> -> memref<8192xf32, #tpu.memory_space<hbm>>
      tpu.wait_dma2 semaphore(%arg19 : memref<!tpu.dma_semaphore, #tpu.memory_space<semaphore_mem>>) src(%dma_wait3A_49 : memref<8192xf32, #tpu.memory_space<hbm>>) dst(%arg6 : memref<8192xf32, #tpu.memory_space<vmem>>)
      %dma_wait3A_50 = arith.constant 0 : i32
      %dma_wait3A_51 = tpu.memref_slice %arg3[%dma_wait3A_50] : memref<33554432xf32, #tpu.memory_space<hbm>> -> memref<8192xf32, #tpu.memory_space<hbm>>
      %dma_wait3A_52 = arith.constant 0 : i32
      %dma_wait3A_53 = tpu.memref_slice %arg3[%dma_wait3A_52] : memref<33554432xf32, #tpu.memory_space<hbm>> -> memref<8192xf32, #tpu.memory_space<hbm>>
      tpu.wait_dma2 semaphore(%arg19 : memref<!tpu.dma_semaphore, #tpu.memory_space<semaphore_mem>>) src(%dma_wait3A_53 : memref<8192xf32, #tpu.memory_space<hbm>>) dst(%arg7 : memref<8192xf32, #tpu.memory_space<vmem>>)
      %dma_wait3A_54 = arith.constant 0 : i32
      %dma_wait3A_55 = tpu.memref_slice %arg4[%dma_wait3A_54] : memref<33554432xi32, #tpu.memory_space<hbm>> -> memref<8192xi32, #tpu.memory_space<hbm>>
      %dma_wait3A_56 = arith.constant 0 : i32
      %dma_wait3A_57 = tpu.memref_slice %arg4[%dma_wait3A_56] : memref<33554432xi32, #tpu.memory_space<hbm>> -> memref<8192xi32, #tpu.memory_space<hbm>>
      tpu.wait_dma2 semaphore(%arg19 : memref<!tpu.dma_semaphore, #tpu.memory_space<semaphore_mem>>) src(%dma_wait3A_57 : memref<8192xi32, #tpu.memory_space<hbm>>) dst(%arg8 : memref<8192xi32, #tpu.memory_space<vmem>>)
      %scan3A_58 = arith.constant 0 : i32
      %scan3A_59 = arith.constant 64 : i32
      %scan3A_60 = arith.addi %scan3A_58, %scan3A_59 : i32
      %scan3A_61 = arith.constant 1 : i32
      %scan3A_62 = scf.for %scan3A_155 = %scan3A_58 to %scan3A_60 step %scan3A_61 iter_args(%scan3A_156 = %scan3A_42) -> (vector<16xf32>)  : i32 {
        %mul3A_157 = arith.constant 128 : i32
        %mul3A_158 = arith.muli %scan3A_155, %mul3A_157 : i32
        %add3A_159 = arith.constant 0 : i32
        %add3A_160 = arith.addi %mul3A_158, %add3A_159 : i32
        %get3A = arith.index_cast %add3A_160 : i32 to index
        %get3A_161 = tpu.vector_load %arg6[%get3A] {strides = array<i32>} : memref<8192xf32, #tpu.memory_space<vmem>>, vector<16xf32>,
        %get3A_162 = arith.index_cast %add3A_160 : i32 to index
        %get3A_163 = tpu.vector_load %arg7[%get3A_162] {strides = array<i32>} : memref<8192xf32, #tpu.memory_space<vmem>>, vector<16xf32>,
        %get3A_164 = arith.index_cast %add3A_160 : i32 to index
        %get3A_165 = tpu.vector_load %arg8[%get3A_164] {strides = array<i32>} : memref<8192xi32, #tpu.memory_space<vmem>>, vector<16xi32>,
        %sub3A = arith.subf %get3A_161, %get3A_163 : vector<16xf32>
        %abs3A = math.absf %sub3A : vector<16xf32>
        %mul3A_166 = arith.mulf %sub3A, %abs3A : vector<16xf32>
        %add3A_167 = vector.broadcast %mul3A_158 : i32 to vector<16xi32>
        %add3A_168 = arith.addi %add3A_167, %get3A_165 : vector<16xi32>
        %gather3A = tpu.vector_load_idx %arg6[%add3A_168] : memref<8192xf32, #tpu.memory_space<vmem>>[vector<16xi32>], vector<16xf32>,
        %gather3A_169 = tpu.vector_load_idx %arg7[%add3A_168] : memref<8192xf32, #tpu.memory_space<vmem>>[vector<16xi32>], vector<16xf32>,
        %sub3A_170 = arith.subf %gather3A, %gather3A_169 : vector<16xf32>
        %sign3A = tpu.bitcast %sub3A_170 : vector<16xf32> -> vector<16xi32>
        %sign3A_171 = arith.constant -2147483648 : i32
        %sign3A_172 = vector.broadcast %sign3A_171 : i32 to vector<16xi32>
        %sign3A_173 = arith.andi %sign3A, %sign3A_172 : vector<16xi32>
        %sign3A_174 = arith.constant 1065353216 : i32
        %sign3A_175 = vector.broadcast %sign3A_174 : i32 to vector<16xi32>
        %sign3A_176 = arith.ori %sign3A_175, %sign3A_173 : vector<16xi32>
        %sign3A_177 = tpu.bitcast %sign3A_176 : vector<16xi32> -> vector<16xf32>
        %sign3A_178 = math.absf %sub3A_170 : vector<16xf32>
        %sign3A_179 = arith.constant 0.000000e+00 : f32
        %sign3A_180 = vector.broadcast %sign3A_179 : f32 to vector<16xf32>
        %sign3A_181 = arith.cmpf ogt, %sign3A_178, %sign3A_180 : vector<16xf32>
        %sign3A_182 = arith.select %sign3A_181, %sign3A_177, %sub3A_170 : vector<16xi1>, vector<16xf32>
        %mul3A_183 = arith.mulf %mul3A_166, %sign3A_182 : vector<16xf32>
        %add3A_184 = arith.addf %scan3A_156, %mul3A_183 : vector<16xf32>
        %add3A_185 = arith.constant 16 : i32
        %add3A_186 = arith.addi %mul3A_158, %add3A_185 : i32
        %get3A_187 = arith.index_cast %add3A_186 : i32 to index
        %get3A_188 = tpu.vector_load %arg6[%get3A_187] {strides = array<i32>} : memref<8192xf32, #tpu.memory_space<vmem>>, vector<16xf32>,
        %get3A_189 = arith.index_cast %add3A_186 : i32 to index
        %get3A_190 = tpu.vector_load %arg7[%get3A_189] {strides = array<i32>} : memref<8192xf32, #tpu.memory_space<vmem>>, vector<16xf32>,
        %get3A_191 = arith.index_cast %add3A_186 : i32 to index
        %get3A_192 = tpu.vector_load %arg8[%get3A_191] {strides = array<i32>} : memref<8192xi32, #tpu.memory_space<vmem>>, vector<16xi32>,
        %sub3A_193 = arith.subf %get3A_188, %get3A_190 : vector<16xf32>
        %abs3A_194 = math.absf %sub3A_193 : vector<16xf32>
        %mul3A_195 = arith.mulf %sub3A_193, %abs3A_194 : vector<16xf32>
        %add3A_196 = vector.broadcast %mul3A_158 : i32 to vector<16xi32>
        %add3A_197 = arith.addi %add3A_196, %get3A_192 : vector<16xi32>
        %gather3A_198 = tpu.vector_load_idx %arg6[%add3A_197] : memref<8192xf32, #tpu.memory_space<vmem>>[vector<16xi32>], vector<16xf32>,
        %gather3A_199 = tpu.vector_load_idx %arg7[%add3A_197] : memref<8192xf32, #tpu.memory_space<vmem>>[vector<16xi32>], vector<16xf32>,
        %sub3A_200 = arith.subf %gather3A_198, %gather3A_199 : vector<16xf32>
        %sign3A_201 = tpu.bitcast %sub3A_200 : vector<16xf32> -> vector<16xi32>
        %sign3A_202 = arith.constant -2147483648 : i32
        %sign3A_203 = vector.broadcast %sign3A_202 : i32 to vector<16xi32>
        %sign3A_204 = arith.andi %sign3A_201, %sign3A_203 : vector<16xi32>
        %sign3A_205 = arith.constant 1065353216 : i32
        %sign3A_206 = vector.broadcast %sign3A_205 : i32 to vector<16xi32>
        %sign3A_207 = arith.ori %sign3A_206, %sign3A_204 : vector<16xi32>
        %sign3A_208 = tpu.bitcast %sign3A_207 : vector<16xi32> -> vector<16xf32>
        %sign3A_209 = math.absf %sub3A_200 : vector<16xf32>
        %sign3A_210 = arith.constant 0.000000e+00 : f32
        %sign3A_211 = vector.broadcast %sign3A_210 : f32 to vector<16xf32>
        %sign3A_212 = arith.cmpf ogt, %sign3A_209, %sign3A_211 : vector<16xf32>
        %sign3A_213 = arith.select %sign3A_212, %sign3A_208, %sub3A_200 : vector<16xi1>, vector<16xf32>
        %mul3A_214 = arith.mulf %mul3A_195, %sign3A_213 : vector<16xf32>
        %add3A_215 = arith.addf %add3A_184, %mul3A_214 : vector<16xf32>
        %add3A_216 = arith.constant 32 : i32
        %add3A_217 = arith.addi %mul3A_158, %add3A_216 : i32
        %get3A_218 = arith.index_cast %add3A_217 : i32 to index
        %get3A_219 = tpu.vector_load %arg6[%get3A_218] {strides = array<i32>} : memref<8192xf32, #tpu.memory_space<vmem>>, vector<16xf32>,
        %get3A_220 = arith.index_cast %add3A_217 : i32 to index
        %get3A_221 = tpu.vector_load %arg7[%get3A_220] {strides = array<i32>} : memref<8192xf32, #tpu.memory_space<vmem>>, vector<16xf32>,
        %get3A_222 = arith.index_cast %add3A_217 : i32 to index
        %get3A_223 = tpu.vector_load %arg8[%get3A_222] {strides = array<i32>} : memref<8192xi32, #tpu.memory_space<vmem>>, vector<16xi32>,
        %sub3A_224 = arith.subf %get3A_219, %get3A_221 : vector<16xf32>
        %abs3A_225 = math.absf %sub3A_224 : vector<16xf32>
        %mul3A_226 = arith.mulf %sub3A_224, %abs3A_225 : vector<16xf32>
        %add3A_227 = vector.broadcast %mul3A_158 : i32 to vector<16xi32>
        %add3A_228 = arith.addi %add3A_227, %get3A_223 : vector<16xi32>
        %gather3A_229 = tpu.vector_load_idx %arg6[%add3A_228] : memref<8192xf32, #tpu.memory_space<vmem>>[vector<16xi32>], vector<16xf32>,
        %gather3A_230 = tpu.vector_load_idx %arg7[%add3A_228] : memref<8192xf32, #tpu.memory_space<vmem>>[vector<16xi32>], vector<16xf32>,
        %sub3A_231 = arith.subf %gather3A_229, %gather3A_230 : vector<16xf32>
        %sign3A_232 = tpu.bitcast %sub3A_231 : vector<16xf32> -> vector<16xi32>
        %sign3A_233 = arith.constant -2147483648 : i32
        %sign3A_234 = vector.broadcast %sign3A_233 : i32 to vector<16xi32>
        %sign3A_235 = arith.andi %sign3A_232, %sign3A_234 : vector<16xi32>
        %sign3A_236 = arith.constant 1065353216 : i32
        %sign3A_237 = vector.broadcast %sign3A_236 : i32 to vector<16xi32>
        %sign3A_238 = arith.ori %sign3A_237, %sign3A_235 : vector<16xi32>
        %sign3A_239 = tpu.bitcast %sign3A_238 : vector<16xi32> -> vector<16xf32>
        %sign3A_240 = math.absf %sub3A_231 : vector<16xf32>
        %sign3A_241 = arith.constant 0.000000e+00 : f32
        %sign3A_242 = vector.broadcast %sign3A_241 : f32 to vector<16xf32>
        %sign3A_243 = arith.cmpf ogt, %sign3A_240, %sign3A_242 : vector<16xf32>
        %sign3A_244 = arith.select %sign3A_243, %sign3A_239, %sub3A_231 : vector<16xi1>, vector<16xf32>
        %mul3A_245 = arith.mulf %mul3A_226, %sign3A_244 : vector<16xf32>
        %add3A_246 = arith.addf %add3A_215, %mul3A_245 : vector<16xf32>
        %add3A_247 = arith.constant 48 : i32
        %add3A_248 = arith.addi %mul3A_158, %add3A_247 : i32
        %get3A_249 = arith.index_cast %add3A_248 : i32 to index
        %get3A_250 = tpu.vector_load %arg6[%get3A_249] {strides = array<i32>} : memref<8192xf32, #tpu.memory_space<vmem>>, vector<16xf32>,
        %get3A_251 = arith.index_cast %add3A_248 : i32 to index
        %get3A_252 = tpu.vector_load %arg7[%get3A_251] {strides = array<i32>} : memref<8192xf32, #tpu.memory_space<vmem>>, vector<16xf32>,
        %get3A_253 = arith.index_cast %add3A_248 : i32 to index
        %get3A_254 = tpu.vector_load %arg8[%get3A_253] {strides = array<i32>} : memref<8192xi32, #tpu.memory_space<vmem>>, vector<16xi32>,
        %sub3A_255 = arith.subf %get3A_250, %get3A_252 : vector<16xf32>
        %abs3A_256 = math.absf %sub3A_255 : vector<16xf32>
        %mul3A_257 = arith.mulf %sub3A_255, %abs3A_256 : vector<16xf32>
        %add3A_258 = vector.broadcast %mul3A_158 : i32 to vector<16xi32>
        %add3A_259 = arith.addi %add3A_258, %get3A_254 : vector<16xi32>
        %gather3A_260 = tpu.vector_load_idx %arg6[%add3A_259] : memref<8192xf32, #tpu.memory_space<vmem>>[vector<16xi32>], vector<16xf32>,
        %gather3A_261 = tpu.vector_load_idx %arg7[%add3A_259] : memref<8192xf32, #tpu.memory_space<vmem>>[vector<16xi32>], vector<16xf32>,
        %sub3A_262 = arith.subf %gather3A_260, %gather3A_261 : vector<16xf32>
        %sign3A_263 = tpu.bitcast %sub3A_262 : vector<16xf32> -> vector<16xi32>
        %sign3A_264 = arith.constant -2147483648 : i32
        %sign3A_265 = vector.broadcast %sign3A_264 : i32 to vector<16xi32>
        %sign3A_266 = arith.andi %sign3A_263, %sign3A_265 : vector<16xi32>
        %sign3A_267 = arith.constant 1065353216 : i32
        %sign3A_268 = vector.broadcast %sign3A_267 : i32 to vector<16xi32>
        %sign3A_269 = arith.ori %sign3A_268, %sign3A_266 : vector<16xi32>
        %sign3A_270 = tpu.bitcast %sign3A_269 : vector<16xi32> -> vector<16xf32>
        %sign3A_271 = math.absf %sub3A_262 : vector<16xf32>
        %sign3A_272 = arith.constant 0.000000e+00 : f32
        %sign3A_273 = vector.broadcast %sign3A_272 : f32 to vector<16xf32>
        %sign3A_274 = arith.cmpf ogt, %sign3A_271, %sign3A_273 : vector<16xf32>
        %sign3A_275 = arith.select %sign3A_274, %sign3A_270, %sub3A_262 : vector<16xi1>, vector<16xf32>
        %mul3A_276 = arith.mulf %mul3A_257, %sign3A_275 : vector<16xf32>
        %add3A_277 = arith.addf %add3A_246, %mul3A_276 : vector<16xf32>
        %add3A_278 = arith.constant 64 : i32
        %add3A_279 = arith.addi %mul3A_158, %add3A_278 : i32
        %get3A_280 = arith.index_cast %add3A_279 : i32 to index
        %get3A_281 = tpu.vector_load %arg6[%get3A_280] {strides = array<i32>} : memref<8192xf32, #tpu.memory_space<vmem>>, vector<16xf32>,
        %get3A_282 = arith.index_cast %add3A_279 : i32 to index
        %get3A_283 = tpu.vector_load %arg7[%get3A_282] {strides = array<i32>} : memref<8192xf32, #tpu.memory_space<vmem>>, vector<16xf32>,
        %get3A_284 = arith.index_cast %add3A_279 : i32 to index
        %get3A_285 = tpu.vector_load %arg8[%get3A_284] {strides = array<i32>} : memref<8192xi32, #tpu.memory_space<vmem>>, vector<16xi32>,
        %sub3A_286 = arith.subf %get3A_281, %get3A_283 : vector<16xf32>
        %abs3A_287 = math.absf %sub3A_286 : vector<16xf32>
        %mul3A_288 = arith.mulf %sub3A_286, %abs3A_287 : vector<16xf32>
        %add3A_289 = vector.broadcast %mul3A_158 : i32 to vector<16xi32>
        %add3A_290 = arith.addi %add3A_289, %get3A_285 : vector<16xi32>
        %gather3A_291 = tpu.vector_load_idx %arg6[%add3A_290] : memref<8192xf32, #tpu.memory_space<vmem>>[vector<16xi32>], vector<16xf32>,
        %gather3A_292 = tpu.vector_load_idx %arg7[%add3A_290] : memref<8192xf32, #tpu.memory_space<vmem>>[vector<16xi32>], vector<16xf32>,
        %sub3A_293 = arith.subf %gather3A_291, %gather3A_292 : vector<16xf32>
        %sign3A_294 = tpu.bitcast %sub3A_293 : vector<16xf32> -> vector<16xi32>
        %sign3A_295 = arith.constant -2147483648 : i32
        %sign3A_296 = vector.broadcast %sign3A_295 : i32 to vector<16xi32>
        %sign3A_297 = arith.andi %sign3A_294, %sign3A_296 : vector<16xi32>
        %sign3A_298 = arith.constant 1065353216 : i32
        %sign3A_299 = vector.broadcast %sign3A_298 : i32 to vector<16xi32>
        %sign3A_300 = arith.ori %sign3A_299, %sign3A_297 : vector<16xi32>
        %sign3A_301 = tpu.bitcast %sign3A_300 : vector<16xi32> -> vector<16xf32>
        %sign3A_302 = math.absf %sub3A_293 : vector<16xf32>
        %sign3A_303 = arith.constant 0.000000e+00 : f32
        %sign3A_304 = vector.broadcast %sign3A_303 : f32 to vector<16xf32>
        %sign3A_305 = arith.cmpf ogt, %sign3A_302, %sign3A_304 : vector<16xf32>
        %sign3A_306 = arith.select %sign3A_305, %sign3A_301, %sub3A_293 : vector<16xi1>, vector<16xf32>
        %mul3A_307 = arith.mulf %mul3A_288, %sign3A_306 : vector<16xf32>
        %add3A_308 = arith.addf %add3A_277, %mul3A_307 : vector<16xf32>
        %add3A_309 = arith.constant 80 : i32
        %add3A_310 = arith.addi %mul3A_158, %add3A_309 : i32
        %get3A_311 = arith.index_cast %add3A_310 : i32 to index
        %get3A_312 = tpu.vector_load %arg6[%get3A_311] {strides = array<i32>} : memref<8192xf32, #tpu.memory_space<vmem>>, vector<16xf32>,
        %get3A_313 = arith.index_cast %add3A_310 : i32 to index
        %get3A_314 = tpu.vector_load %arg7[%get3A_313] {strides = array<i32>} : memref<8192xf32, #tpu.memory_space<vmem>>, vector<16xf32>,
        %get3A_315 = arith.index_cast %add3A_310 : i32 to index
        %get3A_316 = tpu.vector_load %arg8[%get3A_315] {strides = array<i32>} : memref<8192xi32, #tpu.memory_space<vmem>>, vector<16xi32>,
        %sub3A_317 = arith.subf %get3A_312, %get3A_314 : vector<16xf32>
        %abs3A_318 = math.absf %sub3A_317 : vector<16xf32>
        %mul3A_319 = arith.mulf %sub3A_317, %abs3A_318 : vector<16xf32>
        %add3A_320 = vector.broadcast %mul3A_158 : i32 to vector<16xi32>
        %add3A_321 = arith.addi %add3A_320, %get3A_316 : vector<16xi32>
        %gather3A_322 = tpu.vector_load_idx %arg6[%add3A_321] : memref<8192xf32, #tpu.memory_space<vmem>>[vector<16xi32>], vector<16xf32>,
        %gather3A_323 = tpu.vector_load_idx %arg7[%add3A_321] : memref<8192xf32, #tpu.memory_space<vmem>>[vector<16xi32>], vector<16xf32>,
        %sub3A_324 = arith.subf %gather3A_322, %gather3A_323 : vector<16xf32>
        %sign3A_325 = tpu.bitcast %sub3A_324 : vector<16xf32> -> vector<16xi32>
        %sign3A_326 = arith.constant -2147483648 : i32
        %sign3A_327 = vector.broadcast %sign3A_326 : i32 to vector<16xi32>
        %sign3A_328 = arith.andi %sign3A_325, %sign3A_327 : vector<16xi32>
        %sign3A_329 = arith.constant 1065353216 : i32
        %sign3A_330 = vector.broadcast %sign3A_329 : i32 to vector<16xi32>
        %sign3A_331 = arith.ori %sign3A_330, %sign3A_328 : vector<16xi32>
        %sign3A_332 = tpu.bitcast %sign3A_331 : vector<16xi32> -> vector<16xf32>
        %sign3A_333 = math.absf %sub3A_324 : vector<16xf32>
        %sign3A_334 = arith.constant 0.000000e+00 : f32
        %sign3A_335 = vector.broadcast %sign3A_334 : f32 to vector<16xf32>
        %sign3A_336 = arith.cmpf ogt, %sign3A_333, %sign3A_335 : vector<16xf32>
        %sign3A_337 = arith.select %sign3A_336, %sign3A_332, %sub3A_324 : vector<16xi1>, vector<16xf32>
        %mul3A_338 = arith.mulf %mul3A_319, %sign3A_337 : vector<16xf32>
        %add3A_339 = arith.addf %add3A_308, %mul3A_338 : vector<16xf32>
        %add3A_340 = arith.constant 96 : i32
        %add3A_341 = arith.addi %mul3A_158, %add3A_340 : i32
        %get3A_342 = arith.index_cast %add3A_341 : i32 to index
        %get3A_343 = tpu.vector_load %arg6[%get3A_342] {strides = array<i32>} : memref<8192xf32, #tpu.memory_space<vmem>>, vector<16xf32>,
        %get3A_344 = arith.index_cast %add3A_341 : i32 to index
        %get3A_345 = tpu.vector_load %arg7[%get3A_344] {strides = array<i32>} : memref<8192xf32, #tpu.memory_space<vmem>>, vector<16xf32>,
        %get3A_346 = arith.index_cast %add3A_341 : i32 to index
        %get3A_347 = tpu.vector_load %arg8[%get3A_346] {strides = array<i32>} : memref<8192xi32, #tpu.memory_space<vmem>>, vector<16xi32>,
        %sub3A_348 = arith.subf %get3A_343, %get3A_345 : vector<16xf32>
        %abs3A_349 = math.absf %sub3A_348 : vector<16xf32>
        %mul3A_350 = arith.mulf %sub3A_348, %abs3A_349 : vector<16xf32>
        %add3A_351 = vector.broadcast %mul3A_158 : i32 to vector<16xi32>
        %add3A_352 = arith.addi %add3A_351, %get3A_347 : vector<16xi32>
        %gather3A_353 = tpu.vector_load_idx %arg6[%add3A_352] : memref<8192xf32, #tpu.memory_space<vmem>>[vector<16xi32>], vector<16xf32>,
        %gather3A_354 = tpu.vector_load_idx %arg7[%add3A_352] : memref<8192xf32, #tpu.memory_space<vmem>>[vector<16xi32>], vector<16xf32>,
        %sub3A_355 = arith.subf %gather3A_353, %gather3A_354 : vector<16xf32>
        %sign3A_356 = tpu.bitcast %sub3A_355 : vector<16xf32> -> vector<16xi32>
        %sign3A_357 = arith.constant -2147483648 : i32
        %sign3A_358 = vector.broadcast %sign3A_357 : i32 to vector<16xi32>
        %sign3A_359 = arith.andi %sign3A_356, %sign3A_358 : vector<16xi32>
        %sign3A_360 = arith.constant 1065353216 : i32
        %sign3A_361 = vector.broadcast %sign3A_360 : i32 to vector<16xi32>
        %sign3A_362 = arith.ori %sign3A_361, %sign3A_359 : vector<16xi32>
        %sign3A_363 = tpu.bitcast %sign3A_362 : vector<16xi32> -> vector<16xf32>
        %sign3A_364 = math.absf %sub3A_355 : vector<16xf32>
        %sign3A_365 = arith.constant 0.000000e+00 : f32
        %sign3A_366 = vector.broadcast %sign3A_365 : f32 to vector<16xf32>
        %sign3A_367 = arith.cmpf ogt, %sign3A_364, %sign3A_366 : vector<16xf32>
        %sign3A_368 = arith.select %sign3A_367, %sign3A_363, %sub3A_355 : vector<16xi1>, vector<16xf32>
        %mul3A_369 = arith.mulf %mul3A_350, %sign3A_368 : vector<16xf32>
        %add3A_370 = arith.addf %add3A_339, %mul3A_369 : vector<16xf32>
        %add3A_371 = arith.constant 112 : i32
        %add3A_372 = arith.addi %mul3A_158, %add3A_371 : i32
        %get3A_373 = arith.index_cast %add3A_372 : i32 to index
        %get3A_374 = tpu.vector_load %arg6[%get3A_373] {strides = array<i32>} : memref<8192xf32, #tpu.memory_space<vmem>>, vector<16xf32>,
        %get3A_375 = arith.index_cast %add3A_372 : i32 to index
        %get3A_376 = tpu.vector_load %arg7[%get3A_375] {strides = array<i32>} : memref<8192xf32, #tpu.memory_space<vmem>>, vector<16xf32>,
        %get3A_377 = arith.index_cast %add3A_372 : i32 to index
        %get3A_378 = tpu.vector_load %arg8[%get3A_377] {strides = array<i32>} : memref<8192xi32, #tpu.memory_space<vmem>>, vector<16xi32>,
        %sub3A_379 = arith.subf %get3A_374, %get3A_376 : vector<16xf32>
        %abs3A_380 = math.absf %sub3A_379 : vector<16xf32>
        %mul3A_381 = arith.mulf %sub3A_379, %abs3A_380 : vector<16xf32>
        %add3A_382 = vector.broadcast %mul3A_158 : i32 to vector<16xi32>
        %add3A_383 = arith.addi %add3A_382, %get3A_378 : vector<16xi32>
        %gather3A_384 = tpu.vector_load_idx %arg6[%add3A_383] : memref<8192xf32, #tpu.memory_space<vmem>>[vector<16xi32>], vector<16xf32>,
        %gather3A_385 = tpu.vector_load_idx %arg7[%add3A_383] : memref<8192xf32, #tpu.memory_space<vmem>>[vector<16xi32>], vector<16xf32>,
        %sub3A_386 = arith.subf %gather3A_384, %gather3A_385 : vector<16xf32>
        %sign3A_387 = tpu.bitcast %sub3A_386 : vector<16xf32> -> vector<16xi32>
        %sign3A_388 = arith.constant -2147483648 : i32
        %sign3A_389 = vector.broadcast %sign3A_388 : i32 to vector<16xi32>
        %sign3A_390 = arith.andi %sign3A_387, %sign3A_389 : vector<16xi32>
        %sign3A_391 = arith.constant 1065353216 : i32
        %sign3A_392 = vector.broadcast %sign3A_391 : i32 to vector<16xi32>
        %sign3A_393 = arith.ori %sign3A_392, %sign3A_390 : vector<16xi32>
        %sign3A_394 = tpu.bitcast %sign3A_393 : vector<16xi32> -> vector<16xf32>
        %sign3A_395 = math.absf %sub3A_386 : vector<16xf32>
        %sign3A_396 = arith.constant 0.000000e+00 : f32
        %sign3A_397 = vector.broadcast %sign3A_396 : f32 to vector<16xf32>
        %sign3A_398 = arith.cmpf ogt, %sign3A_395, %sign3A_397 : vector<16xf32>
        %sign3A_399 = arith.select %sign3A_398, %sign3A_394, %sub3A_386 : vector<16xi1>, vector<16xf32>
        %mul3A_400 = arith.mulf %mul3A_381, %sign3A_399 : vector<16xf32>
        %add3A_401 = arith.addf %add3A_370, %mul3A_400 : vector<16xf32>
        scf.yield %add3A_401 : vector<16xf32>
      }
      %scan3A_63 = arith.constant 64 : i32
      %add3A_64 = arith.constant 4 : i32
      %add3A_65 = arith.addi %add3A_46, %add3A_64 : i32
      %lt3A = arith.constant 64 : i32
      %lt3A_66 = arith.cmpi slt, %add3A_65, %lt3A : i32
      %convert_element_type3A = arith.extui %lt3A_66 : i1 to i32
      %cond3A = arith.constant 0 : i32
      %cond3A_67 = arith.cmpi ne, %convert_element_type3A, %cond3A : i32
      scf.if %cond3A_67 {
        %add3A_155 = arith.constant 4 : i32
        %add3A_156 = arith.addi %add3A_46, %add3A_155 : i32
        %mul3A_157 = arith.constant 8192 : i32
        %mul3A_158 = arith.muli %add3A_156, %mul3A_157 : i32
        %add3A_159 = arith.addi %mul3A_2, %mul3A_158 : i32
        %dma_start3A_160 = tpu.memref_slice %arg2[%add3A_159] : memref<33554432xf32, #tpu.memory_space<hbm>> -> memref<8192xf32, #tpu.memory_space<hbm>>
        %dma_start3A_161 = tpu.memref_slice %arg2[%add3A_159] : memref<33554432xf32, #tpu.memory_space<hbm>> -> memref<8192xf32, #tpu.memory_space<hbm>>
        tpu.enqueue_dma source(%dma_start3A_161 : memref<8192xf32, #tpu.memory_space<hbm>>) target(%arg6 : memref<8192xf32, #tpu.memory_space<vmem>>) target_semaphore(%arg19 : memref<!tpu.dma_semaphore, #tpu.memory_space<semaphore_mem>>)
        %dma_start3A_162 = tpu.memref_slice %arg3[%add3A_159] : memref<33554432xf32, #tpu.memory_space<hbm>> -> memref<8192xf32, #tpu.memory_space<hbm>>
        %dma_start3A_163 = tpu.memref_slice %arg3[%add3A_159] : memref<33554432xf32, #tpu.memory_space<hbm>> -> memref<8192xf32, #tpu.memory_space<hbm>>
        tpu.enqueue_dma source(%dma_start3A_163 : memref<8192xf32, #tpu.memory_space<hbm>>) target(%arg7 : memref<8192xf32, #tpu.memory_space<vmem>>) target_semaphore(%arg19 : memref<!tpu.dma_semaphore, #tpu.memory_space<semaphore_mem>>)
        %dma_start3A_164 = tpu.memref_slice %arg4[%add3A_159] : memref<33554432xi32, #tpu.memory_space<hbm>> -> memref<8192xi32, #tpu.memory_space<hbm>>
        %dma_start3A_165 = tpu.memref_slice %arg4[%add3A_159] : memref<33554432xi32, #tpu.memory_space<hbm>> -> memref<8192xi32, #tpu.memory_space<hbm>>
        tpu.enqueue_dma source(%dma_start3A_165 : memref<8192xi32, #tpu.memory_space<hbm>>) target(%arg8 : memref<8192xi32, #tpu.memory_space<vmem>>) target_semaphore(%arg19 : memref<!tpu.dma_semaphore, #tpu.memory_space<semaphore_mem>>)
      } else {
      }
      %mul3A_68 = arith.constant 4 : i32
      %mul3A_69 = arith.muli %scan3A_41, %mul3A_68 : i32
      %add3A_70 = arith.constant 1 : i32
      %add3A_71 = arith.addi %mul3A_69, %add3A_70 : i32
      %dma_wait3A_72 = arith.constant 0 : i32
      %dma_wait3A_73 = tpu.memref_slice %arg2[%dma_wait3A_72] : memref<33554432xf32, #tpu.memory_space<hbm>> -> memref<8192xf32, #tpu.memory_space<hbm>>
      %dma_wait3A_74 = arith.constant 0 : i32
      %dma_wait3A_75 = tpu.memref_slice %arg2[%dma_wait3A_74] : memref<33554432xf32, #tpu.memory_space<hbm>> -> memref<8192xf32, #tpu.memory_space<hbm>>
      tpu.wait_dma2 semaphore(%arg20 : memref<!tpu.dma_semaphore, #tpu.memory_space<semaphore_mem>>) src(%dma_wait3A_75 : memref<8192xf32, #tpu.memory_space<hbm>>) dst(%arg9 : memref<8192xf32, #tpu.memory_space<vmem>>)
      %dma_wait3A_76 = arith.constant 0 : i32
      %dma_wait3A_77 = tpu.memref_slice %arg3[%dma_wait3A_76] : memref<33554432xf32, #tpu.memory_space<hbm>> -> memref<8192xf32, #tpu.memory_space<hbm>>
      %dma_wait3A_78 = arith.constant 0 : i32
      %dma_wait3A_79 = tpu.memref_slice %arg3[%dma_wait3A_78] : memref<33554432xf32, #tpu.memory_space<hbm>> -> memref<8192xf32, #tpu.memory_space<hbm>>
      tpu.wait_dma2 semaphore(%arg20 : memref<!tpu.dma_semaphore, #tpu.memory_space<semaphore_mem>>) src(%dma_wait3A_79 : memref<8192xf32, #tpu.memory_space<hbm>>) dst(%arg10 : memref<8192xf32, #tpu.memory_space<vmem>>)
      %dma_wait3A_80 = arith.constant 0 : i32
      %dma_wait3A_81 = tpu.memref_slice %arg4[%dma_wait3A_80] : memref<33554432xi32, #tpu.memory_space<hbm>> -> memref<8192xi32, #tpu.memory_space<hbm>>
      %dma_wait3A_82 = arith.constant 0 : i32
      %dma_wait3A_83 = tpu.memref_slice %arg4[%dma_wait3A_82] : memref<33554432xi32, #tpu.memory_space<hbm>> -> memref<8192xi32, #tpu.memory_space<hbm>>
      tpu.wait_dma2 semaphore(%arg20 : memref<!tpu.dma_semaphore, #tpu.memory_space<semaphore_mem>>) src(%dma_wait3A_83 : memref<8192xi32, #tpu.memory_space<hbm>>) dst(%arg11 : memref<8192xi32, #tpu.memory_space<vmem>>)
      %scan3A_84 = arith.constant 0 : i32
      %scan3A_85 = arith.constant 64 : i32
      %scan3A_86 = arith.addi %scan3A_84, %scan3A_85 : i32
      %scan3A_87 = arith.constant 1 : i32
      %scan3A_88 = scf.for %scan3A_155 = %scan3A_84 to %scan3A_86 step %scan3A_87 iter_args(%scan3A_156 = %scan3A_62) -> (vector<16xf32>)  : i32 {
        %mul3A_157 = arith.constant 128 : i32
        %mul3A_158 = arith.muli %scan3A_155, %mul3A_157 : i32
        %add3A_159 = arith.constant 0 : i32
        %add3A_160 = arith.addi %mul3A_158, %add3A_159 : i32
        %get3A = arith.index_cast %add3A_160 : i32 to index
        %get3A_161 = tpu.vector_load %arg9[%get3A] {strides = array<i32>} : memref<8192xf32, #tpu.memory_space<vmem>>, vector<16xf32>,
        %get3A_162 = arith.index_cast %add3A_160 : i32 to index
        %get3A_163 = tpu.vector_load %arg10[%get3A_162] {strides = array<i32>} : memref<8192xf32, #tpu.memory_space<vmem>>, vector<16xf32>,
        %get3A_164 = arith.index_cast %add3A_160 : i32 to index
        %get3A_165 = tpu.vector_load %arg11[%get3A_164] {strides = array<i32>} : memref<8192xi32, #tpu.memory_space<vmem>>, vector<16xi32>,
        %sub3A = arith.subf %get3A_161, %get3A_163 : vector<16xf32>
        %abs3A = math.absf %sub3A : vector<16xf32>
        %mul3A_166 = arith.mulf %sub3A, %abs3A : vector<16xf32>
        %add3A_167 = vector.broadcast %mul3A_158 : i32 to vector<16xi32>
        %add3A_168 = arith.addi %add3A_167, %get3A_165 : vector<16xi32>
        %gather3A = tpu.vector_load_idx %arg9[%add3A_168] : memref<8192xf32, #tpu.memory_space<vmem>>[vector<16xi32>], vector<16xf32>,
        %gather3A_169 = tpu.vector_load_idx %arg10[%add3A_168] : memref<8192xf32, #tpu.memory_space<vmem>>[vector<16xi32>], vector<16xf32>,
        %sub3A_170 = arith.subf %gather3A, %gather3A_169 : vector<16xf32>
        %sign3A = tpu.bitcast %sub3A_170 : vector<16xf32> -> vector<16xi32>
        %sign3A_171 = arith.constant -2147483648 : i32
        %sign3A_172 = vector.broadcast %sign3A_171 : i32 to vector<16xi32>
        %sign3A_173 = arith.andi %sign3A, %sign3A_172 : vector<16xi32>
        %sign3A_174 = arith.constant 1065353216 : i32
        %sign3A_175 = vector.broadcast %sign3A_174 : i32 to vector<16xi32>
        %sign3A_176 = arith.ori %sign3A_175, %sign3A_173 : vector<16xi32>
        %sign3A_177 = tpu.bitcast %sign3A_176 : vector<16xi32> -> vector<16xf32>
        %sign3A_178 = math.absf %sub3A_170 : vector<16xf32>
        %sign3A_179 = arith.constant 0.000000e+00 : f32
        %sign3A_180 = vector.broadcast %sign3A_179 : f32 to vector<16xf32>
        %sign3A_181 = arith.cmpf ogt, %sign3A_178, %sign3A_180 : vector<16xf32>
        %sign3A_182 = arith.select %sign3A_181, %sign3A_177, %sub3A_170 : vector<16xi1>, vector<16xf32>
        %mul3A_183 = arith.mulf %mul3A_166, %sign3A_182 : vector<16xf32>
        %add3A_184 = arith.addf %scan3A_156, %mul3A_183 : vector<16xf32>
        %add3A_185 = arith.constant 16 : i32
        %add3A_186 = arith.addi %mul3A_158, %add3A_185 : i32
        %get3A_187 = arith.index_cast %add3A_186 : i32 to index
        %get3A_188 = tpu.vector_load %arg9[%get3A_187] {strides = array<i32>} : memref<8192xf32, #tpu.memory_space<vmem>>, vector<16xf32>,
        %get3A_189 = arith.index_cast %add3A_186 : i32 to index
        %get3A_190 = tpu.vector_load %arg10[%get3A_189] {strides = array<i32>} : memref<8192xf32, #tpu.memory_space<vmem>>, vector<16xf32>,
        %get3A_191 = arith.index_cast %add3A_186 : i32 to index
        %get3A_192 = tpu.vector_load %arg11[%get3A_191] {strides = array<i32>} : memref<8192xi32, #tpu.memory_space<vmem>>, vector<16xi32>,
        %sub3A_193 = arith.subf %get3A_188, %get3A_190 : vector<16xf32>
        %abs3A_194 = math.absf %sub3A_193 : vector<16xf32>
        %mul3A_195 = arith.mulf %sub3A_193, %abs3A_194 : vector<16xf32>
        %add3A_196 = vector.broadcast %mul3A_158 : i32 to vector<16xi32>
        %add3A_197 = arith.addi %add3A_196, %get3A_192 : vector<16xi32>
        %gather3A_198 = tpu.vector_load_idx %arg9[%add3A_197] : memref<8192xf32, #tpu.memory_space<vmem>>[vector<16xi32>], vector<16xf32>,
        %gather3A_199 = tpu.vector_load_idx %arg10[%add3A_197] : memref<8192xf32, #tpu.memory_space<vmem>>[vector<16xi32>], vector<16xf32>,
        %sub3A_200 = arith.subf %gather3A_198, %gather3A_199 : vector<16xf32>
        %sign3A_201 = tpu.bitcast %sub3A_200 : vector<16xf32> -> vector<16xi32>
        %sign3A_202 = arith.constant -2147483648 : i32
        %sign3A_203 = vector.broadcast %sign3A_202 : i32 to vector<16xi32>
        %sign3A_204 = arith.andi %sign3A_201, %sign3A_203 : vector<16xi32>
        %sign3A_205 = arith.constant 1065353216 : i32
        %sign3A_206 = vector.broadcast %sign3A_205 : i32 to vector<16xi32>
        %sign3A_207 = arith.ori %sign3A_206, %sign3A_204 : vector<16xi32>
        %sign3A_208 = tpu.bitcast %sign3A_207 : vector<16xi32> -> vector<16xf32>
        %sign3A_209 = math.absf %sub3A_200 : vector<16xf32>
        %sign3A_210 = arith.constant 0.000000e+00 : f32
        %sign3A_211 = vector.broadcast %sign3A_210 : f32 to vector<16xf32>
        %sign3A_212 = arith.cmpf ogt, %sign3A_209, %sign3A_211 : vector<16xf32>
        %sign3A_213 = arith.select %sign3A_212, %sign3A_208, %sub3A_200 : vector<16xi1>, vector<16xf32>
        %mul3A_214 = arith.mulf %mul3A_195, %sign3A_213 : vector<16xf32>
        %add3A_215 = arith.addf %add3A_184, %mul3A_214 : vector<16xf32>
        %add3A_216 = arith.constant 32 : i32
        %add3A_217 = arith.addi %mul3A_158, %add3A_216 : i32
        %get3A_218 = arith.index_cast %add3A_217 : i32 to index
        %get3A_219 = tpu.vector_load %arg9[%get3A_218] {strides = array<i32>} : memref<8192xf32, #tpu.memory_space<vmem>>, vector<16xf32>,
        %get3A_220 = arith.index_cast %add3A_217 : i32 to index
        %get3A_221 = tpu.vector_load %arg10[%get3A_220] {strides = array<i32>} : memref<8192xf32, #tpu.memory_space<vmem>>, vector<16xf32>,
        %get3A_222 = arith.index_cast %add3A_217 : i32 to index
        %get3A_223 = tpu.vector_load %arg11[%get3A_222] {strides = array<i32>} : memref<8192xi32, #tpu.memory_space<vmem>>, vector<16xi32>,
        %sub3A_224 = arith.subf %get3A_219, %get3A_221 : vector<16xf32>
        %abs3A_225 = math.absf %sub3A_224 : vector<16xf32>
        %mul3A_226 = arith.mulf %sub3A_224, %abs3A_225 : vector<16xf32>
        %add3A_227 = vector.broadcast %mul3A_158 : i32 to vector<16xi32>
        %add3A_228 = arith.addi %add3A_227, %get3A_223 : vector<16xi32>
        %gather3A_229 = tpu.vector_load_idx %arg9[%add3A_228] : memref<8192xf32, #tpu.memory_space<vmem>>[vector<16xi32>], vector<16xf32>,
        %gather3A_230 = tpu.vector_load_idx %arg10[%add3A_228] : memref<8192xf32, #tpu.memory_space<vmem>>[vector<16xi32>], vector<16xf32>,
        %sub3A_231 = arith.subf %gather3A_229, %gather3A_230 : vector<16xf32>
        %sign3A_232 = tpu.bitcast %sub3A_231 : vector<16xf32> -> vector<16xi32>
        %sign3A_233 = arith.constant -2147483648 : i32
        %sign3A_234 = vector.broadcast %sign3A_233 : i32 to vector<16xi32>
        %sign3A_235 = arith.andi %sign3A_232, %sign3A_234 : vector<16xi32>
        %sign3A_236 = arith.constant 1065353216 : i32
        %sign3A_237 = vector.broadcast %sign3A_236 : i32 to vector<16xi32>
        %sign3A_238 = arith.ori %sign3A_237, %sign3A_235 : vector<16xi32>
        %sign3A_239 = tpu.bitcast %sign3A_238 : vector<16xi32> -> vector<16xf32>
        %sign3A_240 = math.absf %sub3A_231 : vector<16xf32>
        %sign3A_241 = arith.constant 0.000000e+00 : f32
        %sign3A_242 = vector.broadcast %sign3A_241 : f32 to vector<16xf32>
        %sign3A_243 = arith.cmpf ogt, %sign3A_240, %sign3A_242 : vector<16xf32>
        %sign3A_244 = arith.select %sign3A_243, %sign3A_239, %sub3A_231 : vector<16xi1>, vector<16xf32>
        %mul3A_245 = arith.mulf %mul3A_226, %sign3A_244 : vector<16xf32>
        %add3A_246 = arith.addf %add3A_215, %mul3A_245 : vector<16xf32>
        %add3A_247 = arith.constant 48 : i32
        %add3A_248 = arith.addi %mul3A_158, %add3A_247 : i32
        %get3A_249 = arith.index_cast %add3A_248 : i32 to index
        %get3A_250 = tpu.vector_load %arg9[%get3A_249] {strides = array<i32>} : memref<8192xf32, #tpu.memory_space<vmem>>, vector<16xf32>,
        %get3A_251 = arith.index_cast %add3A_248 : i32 to index
        %get3A_252 = tpu.vector_load %arg10[%get3A_251] {strides = array<i32>} : memref<8192xf32, #tpu.memory_space<vmem>>, vector<16xf32>,
        %get3A_253 = arith.index_cast %add3A_248 : i32 to index
        %get3A_254 = tpu.vector_load %arg11[%get3A_253] {strides = array<i32>} : memref<8192xi32, #tpu.memory_space<vmem>>, vector<16xi32>,
        %sub3A_255 = arith.subf %get3A_250, %get3A_252 : vector<16xf32>
        %abs3A_256 = math.absf %sub3A_255 : vector<16xf32>
        %mul3A_257 = arith.mulf %sub3A_255, %abs3A_256 : vector<16xf32>
        %add3A_258 = vector.broadcast %mul3A_158 : i32 to vector<16xi32>
        %add3A_259 = arith.addi %add3A_258, %get3A_254 : vector<16xi32>
        %gather3A_260 = tpu.vector_load_idx %arg9[%add3A_259] : memref<8192xf32, #tpu.memory_space<vmem>>[vector<16xi32>], vector<16xf32>,
        %gather3A_261 = tpu.vector_load_idx %arg10[%add3A_259] : memref<8192xf32, #tpu.memory_space<vmem>>[vector<16xi32>], vector<16xf32>,
        %sub3A_262 = arith.subf %gather3A_260, %gather3A_261 : vector<16xf32>
        %sign3A_263 = tpu.bitcast %sub3A_262 : vector<16xf32> -> vector<16xi32>
        %sign3A_264 = arith.constant -2147483648 : i32
        %sign3A_265 = vector.broadcast %sign3A_264 : i32 to vector<16xi32>
        %sign3A_266 = arith.andi %sign3A_263, %sign3A_265 : vector<16xi32>
        %sign3A_267 = arith.constant 1065353216 : i32
        %sign3A_268 = vector.broadcast %sign3A_267 : i32 to vector<16xi32>
        %sign3A_269 = arith.ori %sign3A_268, %sign3A_266 : vector<16xi32>
        %sign3A_270 = tpu.bitcast %sign3A_269 : vector<16xi32> -> vector<16xf32>
        %sign3A_271 = math.absf %sub3A_262 : vector<16xf32>
        %sign3A_272 = arith.constant 0.000000e+00 : f32
        %sign3A_273 = vector.broadcast %sign3A_272 : f32 to vector<16xf32>
        %sign3A_274 = arith.cmpf ogt, %sign3A_271, %sign3A_273 : vector<16xf32>
        %sign3A_275 = arith.select %sign3A_274, %sign3A_270, %sub3A_262 : vector<16xi1>, vector<16xf32>
        %mul3A_276 = arith.mulf %mul3A_257, %sign3A_275 : vector<16xf32>
        %add3A_277 = arith.addf %add3A_246, %mul3A_276 : vector<16xf32>
        %add3A_278 = arith.constant 64 : i32
        %add3A_279 = arith.addi %mul3A_158, %add3A_278 : i32
        %get3A_280 = arith.index_cast %add3A_279 : i32 to index
        %get3A_281 = tpu.vector_load %arg9[%get3A_280] {strides = array<i32>} : memref<8192xf32, #tpu.memory_space<vmem>>, vector<16xf32>,
        %get3A_282 = arith.index_cast %add3A_279 : i32 to index
        %get3A_283 = tpu.vector_load %arg10[%get3A_282] {strides = array<i32>} : memref<8192xf32, #tpu.memory_space<vmem>>, vector<16xf32>,
        %get3A_284 = arith.index_cast %add3A_279 : i32 to index
        %get3A_285 = tpu.vector_load %arg11[%get3A_284] {strides = array<i32>} : memref<8192xi32, #tpu.memory_space<vmem>>, vector<16xi32>,
        %sub3A_286 = arith.subf %get3A_281, %get3A_283 : vector<16xf32>
        %abs3A_287 = math.absf %sub3A_286 : vector<16xf32>
        %mul3A_288 = arith.mulf %sub3A_286, %abs3A_287 : vector<16xf32>
        %add3A_289 = vector.broadcast %mul3A_158 : i32 to vector<16xi32>
        %add3A_290 = arith.addi %add3A_289, %get3A_285 : vector<16xi32>
        %gather3A_291 = tpu.vector_load_idx %arg9[%add3A_290] : memref<8192xf32, #tpu.memory_space<vmem>>[vector<16xi32>], vector<16xf32>,
        %gather3A_292 = tpu.vector_load_idx %arg10[%add3A_290] : memref<8192xf32, #tpu.memory_space<vmem>>[vector<16xi32>], vector<16xf32>,
        %sub3A_293 = arith.subf %gather3A_291, %gather3A_292 : vector<16xf32>
        %sign3A_294 = tpu.bitcast %sub3A_293 : vector<16xf32> -> vector<16xi32>
        %sign3A_295 = arith.constant -2147483648 : i32
        %sign3A_296 = vector.broadcast %sign3A_295 : i32 to vector<16xi32>
        %sign3A_297 = arith.andi %sign3A_294, %sign3A_296 : vector<16xi32>
        %sign3A_298 = arith.constant 1065353216 : i32
        %sign3A_299 = vector.broadcast %sign3A_298 : i32 to vector<16xi32>
        %sign3A_300 = arith.ori %sign3A_299, %sign3A_297 : vector<16xi32>
        %sign3A_301 = tpu.bitcast %sign3A_300 : vector<16xi32> -> vector<16xf32>
        %sign3A_302 = math.absf %sub3A_293 : vector<16xf32>
        %sign3A_303 = arith.constant 0.000000e+00 : f32
        %sign3A_304 = vector.broadcast %sign3A_303 : f32 to vector<16xf32>
        %sign3A_305 = arith.cmpf ogt, %sign3A_302, %sign3A_304 : vector<16xf32>
        %sign3A_306 = arith.select %sign3A_305, %sign3A_301, %sub3A_293 : vector<16xi1>, vector<16xf32>
        %mul3A_307 = arith.mulf %mul3A_288, %sign3A_306 : vector<16xf32>
        %add3A_308 = arith.addf %add3A_277, %mul3A_307 : vector<16xf32>
        %add3A_309 = arith.constant 80 : i32
        %add3A_310 = arith.addi %mul3A_158, %add3A_309 : i32
        %get3A_311 = arith.index_cast %add3A_310 : i32 to index
        %get3A_312 = tpu.vector_load %arg9[%get3A_311] {strides = array<i32>} : memref<8192xf32, #tpu.memory_space<vmem>>, vector<16xf32>,
        %get3A_313 = arith.index_cast %add3A_310 : i32 to index
        %get3A_314 = tpu.vector_load %arg10[%get3A_313] {strides = array<i32>} : memref<8192xf32, #tpu.memory_space<vmem>>, vector<16xf32>,
        %get3A_315 = arith.index_cast %add3A_310 : i32 to index
        %get3A_316 = tpu.vector_load %arg11[%get3A_315] {strides = array<i32>} : memref<8192xi32, #tpu.memory_space<vmem>>, vector<16xi32>,
        %sub3A_317 = arith.subf %get3A_312, %get3A_314 : vector<16xf32>
        %abs3A_318 = math.absf %sub3A_317 : vector<16xf32>
        %mul3A_319 = arith.mulf %sub3A_317, %abs3A_318 : vector<16xf32>
        %add3A_320 = vector.broadcast %mul3A_158 : i32 to vector<16xi32>
        %add3A_321 = arith.addi %add3A_320, %get3A_316 : vector<16xi32>
        %gather3A_322 = tpu.vector_load_idx %arg9[%add3A_321] : memref<8192xf32, #tpu.memory_space<vmem>>[vector<16xi32>], vector<16xf32>,
        %gather3A_323 = tpu.vector_load_idx %arg10[%add3A_321] : memref<8192xf32, #tpu.memory_space<vmem>>[vector<16xi32>], vector<16xf32>,
        %sub3A_324 = arith.subf %gather3A_322, %gather3A_323 : vector<16xf32>
        %sign3A_325 = tpu.bitcast %sub3A_324 : vector<16xf32> -> vector<16xi32>
        %sign3A_326 = arith.constant -2147483648 : i32
        %sign3A_327 = vector.broadcast %sign3A_326 : i32 to vector<16xi32>
        %sign3A_328 = arith.andi %sign3A_325, %sign3A_327 : vector<16xi32>
        %sign3A_329 = arith.constant 1065353216 : i32
        %sign3A_330 = vector.broadcast %sign3A_329 : i32 to vector<16xi32>
        %sign3A_331 = arith.ori %sign3A_330, %sign3A_328 : vector<16xi32>
        %sign3A_332 = tpu.bitcast %sign3A_331 : vector<16xi32> -> vector<16xf32>
        %sign3A_333 = math.absf %sub3A_324 : vector<16xf32>
        %sign3A_334 = arith.constant 0.000000e+00 : f32
        %sign3A_335 = vector.broadcast %sign3A_334 : f32 to vector<16xf32>
        %sign3A_336 = arith.cmpf ogt, %sign3A_333, %sign3A_335 : vector<16xf32>
        %sign3A_337 = arith.select %sign3A_336, %sign3A_332, %sub3A_324 : vector<16xi1>, vector<16xf32>
        %mul3A_338 = arith.mulf %mul3A_319, %sign3A_337 : vector<16xf32>
        %add3A_339 = arith.addf %add3A_308, %mul3A_338 : vector<16xf32>
        %add3A_340 = arith.constant 96 : i32
        %add3A_341 = arith.addi %mul3A_158, %add3A_340 : i32
        %get3A_342 = arith.index_cast %add3A_341 : i32 to index
        %get3A_343 = tpu.vector_load %arg9[%get3A_342] {strides = array<i32>} : memref<8192xf32, #tpu.memory_space<vmem>>, vector<16xf32>,
        %get3A_344 = arith.index_cast %add3A_341 : i32 to index
        %get3A_345 = tpu.vector_load %arg10[%get3A_344] {strides = array<i32>} : memref<8192xf32, #tpu.memory_space<vmem>>, vector<16xf32>,
        %get3A_346 = arith.index_cast %add3A_341 : i32 to index
        %get3A_347 = tpu.vector_load %arg11[%get3A_346] {strides = array<i32>} : memref<8192xi32, #tpu.memory_space<vmem>>, vector<16xi32>,
        %sub3A_348 = arith.subf %get3A_343, %get3A_345 : vector<16xf32>
        %abs3A_349 = math.absf %sub3A_348 : vector<16xf32>
        %mul3A_350 = arith.mulf %sub3A_348, %abs3A_349 : vector<16xf32>
        %add3A_351 = vector.broadcast %mul3A_158 : i32 to vector<16xi32>
        %add3A_352 = arith.addi %add3A_351, %get3A_347 : vector<16xi32>
        %gather3A_353 = tpu.vector_load_idx %arg9[%add3A_352] : memref<8192xf32, #tpu.memory_space<vmem>>[vector<16xi32>], vector<16xf32>,
        %gather3A_354 = tpu.vector_load_idx %arg10[%add3A_352] : memref<8192xf32, #tpu.memory_space<vmem>>[vector<16xi32>], vector<16xf32>,
        %sub3A_355 = arith.subf %gather3A_353, %gather3A_354 : vector<16xf32>
        %sign3A_356 = tpu.bitcast %sub3A_355 : vector<16xf32> -> vector<16xi32>
        %sign3A_357 = arith.constant -2147483648 : i32
        %sign3A_358 = vector.broadcast %sign3A_357 : i32 to vector<16xi32>
        %sign3A_359 = arith.andi %sign3A_356, %sign3A_358 : vector<16xi32>
        %sign3A_360 = arith.constant 1065353216 : i32
        %sign3A_361 = vector.broadcast %sign3A_360 : i32 to vector<16xi32>
        %sign3A_362 = arith.ori %sign3A_361, %sign3A_359 : vector<16xi32>
        %sign3A_363 = tpu.bitcast %sign3A_362 : vector<16xi32> -> vector<16xf32>
        %sign3A_364 = math.absf %sub3A_355 : vector<16xf32>
        %sign3A_365 = arith.constant 0.000000e+00 : f32
        %sign3A_366 = vector.broadcast %sign3A_365 : f32 to vector<16xf32>
        %sign3A_367 = arith.cmpf ogt, %sign3A_364, %sign3A_366 : vector<16xf32>
        %sign3A_368 = arith.select %sign3A_367, %sign3A_363, %sub3A_355 : vector<16xi1>, vector<16xf32>
        %mul3A_369 = arith.mulf %mul3A_350, %sign3A_368 : vector<16xf32>
        %add3A_370 = arith.addf %add3A_339, %mul3A_369 : vector<16xf32>
        %add3A_371 = arith.constant 112 : i32
        %add3A_372 = arith.addi %mul3A_158, %add3A_371 : i32
        %get3A_373 = arith.index_cast %add3A_372 : i32 to index
        %get3A_374 = tpu.vector_load %arg9[%get3A_373] {strides = array<i32>} : memref<8192xf32, #tpu.memory_space<vmem>>, vector<16xf32>,
        %get3A_375 = arith.index_cast %add3A_372 : i32 to index
        %get3A_376 = tpu.vector_load %arg10[%get3A_375] {strides = array<i32>} : memref<8192xf32, #tpu.memory_space<vmem>>, vector<16xf32>,
        %get3A_377 = arith.index_cast %add3A_372 : i32 to index
        %get3A_378 = tpu.vector_load %arg11[%get3A_377] {strides = array<i32>} : memref<8192xi32, #tpu.memory_space<vmem>>, vector<16xi32>,
        %sub3A_379 = arith.subf %get3A_374, %get3A_376 : vector<16xf32>
        %abs3A_380 = math.absf %sub3A_379 : vector<16xf32>
        %mul3A_381 = arith.mulf %sub3A_379, %abs3A_380 : vector<16xf32>
        %add3A_382 = vector.broadcast %mul3A_158 : i32 to vector<16xi32>
        %add3A_383 = arith.addi %add3A_382, %get3A_378 : vector<16xi32>
        %gather3A_384 = tpu.vector_load_idx %arg9[%add3A_383] : memref<8192xf32, #tpu.memory_space<vmem>>[vector<16xi32>], vector<16xf32>,
        %gather3A_385 = tpu.vector_load_idx %arg10[%add3A_383] : memref<8192xf32, #tpu.memory_space<vmem>>[vector<16xi32>], vector<16xf32>,
        %sub3A_386 = arith.subf %gather3A_384, %gather3A_385 : vector<16xf32>
        %sign3A_387 = tpu.bitcast %sub3A_386 : vector<16xf32> -> vector<16xi32>
        %sign3A_388 = arith.constant -2147483648 : i32
        %sign3A_389 = vector.broadcast %sign3A_388 : i32 to vector<16xi32>
        %sign3A_390 = arith.andi %sign3A_387, %sign3A_389 : vector<16xi32>
        %sign3A_391 = arith.constant 1065353216 : i32
        %sign3A_392 = vector.broadcast %sign3A_391 : i32 to vector<16xi32>
        %sign3A_393 = arith.ori %sign3A_392, %sign3A_390 : vector<16xi32>
        %sign3A_394 = tpu.bitcast %sign3A_393 : vector<16xi32> -> vector<16xf32>
        %sign3A_395 = math.absf %sub3A_386 : vector<16xf32>
        %sign3A_396 = arith.constant 0.000000e+00 : f32
        %sign3A_397 = vector.broadcast %sign3A_396 : f32 to vector<16xf32>
        %sign3A_398 = arith.cmpf ogt, %sign3A_395, %sign3A_397 : vector<16xf32>
        %sign3A_399 = arith.select %sign3A_398, %sign3A_394, %sub3A_386 : vector<16xi1>, vector<16xf32>
        %mul3A_400 = arith.mulf %mul3A_381, %sign3A_399 : vector<16xf32>
        %add3A_401 = arith.addf %add3A_370, %mul3A_400 : vector<16xf32>
        scf.yield %add3A_401 : vector<16xf32>
      }
      %scan3A_89 = arith.constant 64 : i32
      %add3A_90 = arith.constant 4 : i32
      %add3A_91 = arith.addi %add3A_71, %add3A_90 : i32
      %lt3A_92 = arith.constant 64 : i32
      %lt3A_93 = arith.cmpi slt, %add3A_91, %lt3A_92 : i32
      %convert_element_type3A_94 = arith.extui %lt3A_93 : i1 to i32
      %cond3A_95 = arith.constant 0 : i32
      %cond3A_96 = arith.cmpi ne, %convert_element_type3A_94, %cond3A_95 : i32
      scf.if %cond3A_96 {
        %add3A_155 = arith.constant 4 : i32
        %add3A_156 = arith.addi %add3A_71, %add3A_155 : i32
        %mul3A_157 = arith.constant 8192 : i32
        %mul3A_158 = arith.muli %add3A_156, %mul3A_157 : i32
        %add3A_159 = arith.addi %mul3A_2, %mul3A_158 : i32
        %dma_start3A_160 = tpu.memref_slice %arg2[%add3A_159] : memref<33554432xf32, #tpu.memory_space<hbm>> -> memref<8192xf32, #tpu.memory_space<hbm>>
        %dma_start3A_161 = tpu.memref_slice %arg2[%add3A_159] : memref<33554432xf32, #tpu.memory_space<hbm>> -> memref<8192xf32, #tpu.memory_space<hbm>>
        tpu.enqueue_dma source(%dma_start3A_161 : memref<8192xf32, #tpu.memory_space<hbm>>) target(%arg9 : memref<8192xf32, #tpu.memory_space<vmem>>) target_semaphore(%arg20 : memref<!tpu.dma_semaphore, #tpu.memory_space<semaphore_mem>>)
        %dma_start3A_162 = tpu.memref_slice %arg3[%add3A_159] : memref<33554432xf32, #tpu.memory_space<hbm>> -> memref<8192xf32, #tpu.memory_space<hbm>>
        %dma_start3A_163 = tpu.memref_slice %arg3[%add3A_159] : memref<33554432xf32, #tpu.memory_space<hbm>> -> memref<8192xf32, #tpu.memory_space<hbm>>
        tpu.enqueue_dma source(%dma_start3A_163 : memref<8192xf32, #tpu.memory_space<hbm>>) target(%arg10 : memref<8192xf32, #tpu.memory_space<vmem>>) target_semaphore(%arg20 : memref<!tpu.dma_semaphore, #tpu.memory_space<semaphore_mem>>)
        %dma_start3A_164 = tpu.memref_slice %arg4[%add3A_159] : memref<33554432xi32, #tpu.memory_space<hbm>> -> memref<8192xi32, #tpu.memory_space<hbm>>
        %dma_start3A_165 = tpu.memref_slice %arg4[%add3A_159] : memref<33554432xi32, #tpu.memory_space<hbm>> -> memref<8192xi32, #tpu.memory_space<hbm>>
        tpu.enqueue_dma source(%dma_start3A_165 : memref<8192xi32, #tpu.memory_space<hbm>>) target(%arg11 : memref<8192xi32, #tpu.memory_space<vmem>>) target_semaphore(%arg20 : memref<!tpu.dma_semaphore, #tpu.memory_space<semaphore_mem>>)
      } else {
      }
      %mul3A_97 = arith.constant 4 : i32
      %mul3A_98 = arith.muli %scan3A_41, %mul3A_97 : i32
      %add3A_99 = arith.constant 2 : i32
      %add3A_100 = arith.addi %mul3A_98, %add3A_99 : i32
      %dma_wait3A_101 = arith.constant 0 : i32
      %dma_wait3A_102 = tpu.memref_slice %arg2[%dma_wait3A_101] : memref<33554432xf32, #tpu.memory_space<hbm>> -> memref<8192xf32, #tpu.memory_space<hbm>>
      %dma_wait3A_103 = arith.constant 0 : i32
      %dma_wait3A_104 = tpu.memref_slice %arg2[%dma_wait3A_103] : memref<33554432xf32, #tpu.memory_space<hbm>> -> memref<8192xf32, #tpu.memory_space<hbm>>
      tpu.wait_dma2 semaphore(%arg21 : memref<!tpu.dma_semaphore, #tpu.memory_space<semaphore_mem>>) src(%dma_wait3A_104 : memref<8192xf32, #tpu.memory_space<hbm>>) dst(%arg12 : memref<8192xf32, #tpu.memory_space<vmem>>)
      %dma_wait3A_105 = arith.constant 0 : i32
      %dma_wait3A_106 = tpu.memref_slice %arg3[%dma_wait3A_105] : memref<33554432xf32, #tpu.memory_space<hbm>> -> memref<8192xf32, #tpu.memory_space<hbm>>
      %dma_wait3A_107 = arith.constant 0 : i32
      %dma_wait3A_108 = tpu.memref_slice %arg3[%dma_wait3A_107] : memref<33554432xf32, #tpu.memory_space<hbm>> -> memref<8192xf32, #tpu.memory_space<hbm>>
      tpu.wait_dma2 semaphore(%arg21 : memref<!tpu.dma_semaphore, #tpu.memory_space<semaphore_mem>>) src(%dma_wait3A_108 : memref<8192xf32, #tpu.memory_space<hbm>>) dst(%arg13 : memref<8192xf32, #tpu.memory_space<vmem>>)
      %dma_wait3A_109 = arith.constant 0 : i32
      %dma_wait3A_110 = tpu.memref_slice %arg4[%dma_wait3A_109] : memref<33554432xi32, #tpu.memory_space<hbm>> -> memref<8192xi32, #tpu.memory_space<hbm>>
      %dma_wait3A_111 = arith.constant 0 : i32
      %dma_wait3A_112 = tpu.memref_slice %arg4[%dma_wait3A_111] : memref<33554432xi32, #tpu.memory_space<hbm>> -> memref<8192xi32, #tpu.memory_space<hbm>>
      tpu.wait_dma2 semaphore(%arg21 : memref<!tpu.dma_semaphore, #tpu.memory_space<semaphore_mem>>) src(%dma_wait3A_112 : memref<8192xi32, #tpu.memory_space<hbm>>) dst(%arg14 : memref<8192xi32, #tpu.memory_space<vmem>>)
      %scan3A_113 = arith.constant 0 : i32
      %scan3A_114 = arith.constant 64 : i32
      %scan3A_115 = arith.addi %scan3A_113, %scan3A_114 : i32
      %scan3A_116 = arith.constant 1 : i32
      %scan3A_117 = scf.for %scan3A_155 = %scan3A_113 to %scan3A_115 step %scan3A_116 iter_args(%scan3A_156 = %scan3A_88) -> (vector<16xf32>)  : i32 {
        %mul3A_157 = arith.constant 128 : i32
        %mul3A_158 = arith.muli %scan3A_155, %mul3A_157 : i32
        %add3A_159 = arith.constant 0 : i32
        %add3A_160 = arith.addi %mul3A_158, %add3A_159 : i32
        %get3A = arith.index_cast %add3A_160 : i32 to index
        %get3A_161 = tpu.vector_load %arg12[%get3A] {strides = array<i32>} : memref<8192xf32, #tpu.memory_space<vmem>>, vector<16xf32>,
        %get3A_162 = arith.index_cast %add3A_160 : i32 to index
        %get3A_163 = tpu.vector_load %arg13[%get3A_162] {strides = array<i32>} : memref<8192xf32, #tpu.memory_space<vmem>>, vector<16xf32>,
        %get3A_164 = arith.index_cast %add3A_160 : i32 to index
        %get3A_165 = tpu.vector_load %arg14[%get3A_164] {strides = array<i32>} : memref<8192xi32, #tpu.memory_space<vmem>>, vector<16xi32>,
        %sub3A = arith.subf %get3A_161, %get3A_163 : vector<16xf32>
        %abs3A = math.absf %sub3A : vector<16xf32>
        %mul3A_166 = arith.mulf %sub3A, %abs3A : vector<16xf32>
        %add3A_167 = vector.broadcast %mul3A_158 : i32 to vector<16xi32>
        %add3A_168 = arith.addi %add3A_167, %get3A_165 : vector<16xi32>
        %gather3A = tpu.vector_load_idx %arg12[%add3A_168] : memref<8192xf32, #tpu.memory_space<vmem>>[vector<16xi32>], vector<16xf32>,
        %gather3A_169 = tpu.vector_load_idx %arg13[%add3A_168] : memref<8192xf32, #tpu.memory_space<vmem>>[vector<16xi32>], vector<16xf32>,
        %sub3A_170 = arith.subf %gather3A, %gather3A_169 : vector<16xf32>
        %sign3A = tpu.bitcast %sub3A_170 : vector<16xf32> -> vector<16xi32>
        %sign3A_171 = arith.constant -2147483648 : i32
        %sign3A_172 = vector.broadcast %sign3A_171 : i32 to vector<16xi32>
        %sign3A_173 = arith.andi %sign3A, %sign3A_172 : vector<16xi32>
        %sign3A_174 = arith.constant 1065353216 : i32
        %sign3A_175 = vector.broadcast %sign3A_174 : i32 to vector<16xi32>
        %sign3A_176 = arith.ori %sign3A_175, %sign3A_173 : vector<16xi32>
        %sign3A_177 = tpu.bitcast %sign3A_176 : vector<16xi32> -> vector<16xf32>
        %sign3A_178 = math.absf %sub3A_170 : vector<16xf32>
        %sign3A_179 = arith.constant 0.000000e+00 : f32
        %sign3A_180 = vector.broadcast %sign3A_179 : f32 to vector<16xf32>
        %sign3A_181 = arith.cmpf ogt, %sign3A_178, %sign3A_180 : vector<16xf32>
        %sign3A_182 = arith.select %sign3A_181, %sign3A_177, %sub3A_170 : vector<16xi1>, vector<16xf32>
        %mul3A_183 = arith.mulf %mul3A_166, %sign3A_182 : vector<16xf32>
        %add3A_184 = arith.addf %scan3A_156, %mul3A_183 : vector<16xf32>
        %add3A_185 = arith.constant 16 : i32
        %add3A_186 = arith.addi %mul3A_158, %add3A_185 : i32
        %get3A_187 = arith.index_cast %add3A_186 : i32 to index
        %get3A_188 = tpu.vector_load %arg12[%get3A_187] {strides = array<i32>} : memref<8192xf32, #tpu.memory_space<vmem>>, vector<16xf32>,
        %get3A_189 = arith.index_cast %add3A_186 : i32 to index
        %get3A_190 = tpu.vector_load %arg13[%get3A_189] {strides = array<i32>} : memref<8192xf32, #tpu.memory_space<vmem>>, vector<16xf32>,
        %get3A_191 = arith.index_cast %add3A_186 : i32 to index
        %get3A_192 = tpu.vector_load %arg14[%get3A_191] {strides = array<i32>} : memref<8192xi32, #tpu.memory_space<vmem>>, vector<16xi32>,
        %sub3A_193 = arith.subf %get3A_188, %get3A_190 : vector<16xf32>
        %abs3A_194 = math.absf %sub3A_193 : vector<16xf32>
        %mul3A_195 = arith.mulf %sub3A_193, %abs3A_194 : vector<16xf32>
        %add3A_196 = vector.broadcast %mul3A_158 : i32 to vector<16xi32>
        %add3A_197 = arith.addi %add3A_196, %get3A_192 : vector<16xi32>
        %gather3A_198 = tpu.vector_load_idx %arg12[%add3A_197] : memref<8192xf32, #tpu.memory_space<vmem>>[vector<16xi32>], vector<16xf32>,
        %gather3A_199 = tpu.vector_load_idx %arg13[%add3A_197] : memref<8192xf32, #tpu.memory_space<vmem>>[vector<16xi32>], vector<16xf32>,
        %sub3A_200 = arith.subf %gather3A_198, %gather3A_199 : vector<16xf32>
        %sign3A_201 = tpu.bitcast %sub3A_200 : vector<16xf32> -> vector<16xi32>
        %sign3A_202 = arith.constant -2147483648 : i32
        %sign3A_203 = vector.broadcast %sign3A_202 : i32 to vector<16xi32>
        %sign3A_204 = arith.andi %sign3A_201, %sign3A_203 : vector<16xi32>
        %sign3A_205 = arith.constant 1065353216 : i32
        %sign3A_206 = vector.broadcast %sign3A_205 : i32 to vector<16xi32>
        %sign3A_207 = arith.ori %sign3A_206, %sign3A_204 : vector<16xi32>
        %sign3A_208 = tpu.bitcast %sign3A_207 : vector<16xi32> -> vector<16xf32>
        %sign3A_209 = math.absf %sub3A_200 : vector<16xf32>
        %sign3A_210 = arith.constant 0.000000e+00 : f32
        %sign3A_211 = vector.broadcast %sign3A_210 : f32 to vector<16xf32>
        %sign3A_212 = arith.cmpf ogt, %sign3A_209, %sign3A_211 : vector<16xf32>
        %sign3A_213 = arith.select %sign3A_212, %sign3A_208, %sub3A_200 : vector<16xi1>, vector<16xf32>
        %mul3A_214 = arith.mulf %mul3A_195, %sign3A_213 : vector<16xf32>
        %add3A_215 = arith.addf %add3A_184, %mul3A_214 : vector<16xf32>
        %add3A_216 = arith.constant 32 : i32
        %add3A_217 = arith.addi %mul3A_158, %add3A_216 : i32
        %get3A_218 = arith.index_cast %add3A_217 : i32 to index
        %get3A_219 = tpu.vector_load %arg12[%get3A_218] {strides = array<i32>} : memref<8192xf32, #tpu.memory_space<vmem>>, vector<16xf32>,
        %get3A_220 = arith.index_cast %add3A_217 : i32 to index
        %get3A_221 = tpu.vector_load %arg13[%get3A_220] {strides = array<i32>} : memref<8192xf32, #tpu.memory_space<vmem>>, vector<16xf32>,
        %get3A_222 = arith.index_cast %add3A_217 : i32 to index
        %get3A_223 = tpu.vector_load %arg14[%get3A_222] {strides = array<i32>} : memref<8192xi32, #tpu.memory_space<vmem>>, vector<16xi32>,
        %sub3A_224 = arith.subf %get3A_219, %get3A_221 : vector<16xf32>
        %abs3A_225 = math.absf %sub3A_224 : vector<16xf32>
        %mul3A_226 = arith.mulf %sub3A_224, %abs3A_225 : vector<16xf32>
        %add3A_227 = vector.broadcast %mul3A_158 : i32 to vector<16xi32>
        %add3A_228 = arith.addi %add3A_227, %get3A_223 : vector<16xi32>
        %gather3A_229 = tpu.vector_load_idx %arg12[%add3A_228] : memref<8192xf32, #tpu.memory_space<vmem>>[vector<16xi32>], vector<16xf32>,
        %gather3A_230 = tpu.vector_load_idx %arg13[%add3A_228] : memref<8192xf32, #tpu.memory_space<vmem>>[vector<16xi32>], vector<16xf32>,
        %sub3A_231 = arith.subf %gather3A_229, %gather3A_230 : vector<16xf32>
        %sign3A_232 = tpu.bitcast %sub3A_231 : vector<16xf32> -> vector<16xi32>
        %sign3A_233 = arith.constant -2147483648 : i32
        %sign3A_234 = vector.broadcast %sign3A_233 : i32 to vector<16xi32>
        %sign3A_235 = arith.andi %sign3A_232, %sign3A_234 : vector<16xi32>
        %sign3A_236 = arith.constant 1065353216 : i32
        %sign3A_237 = vector.broadcast %sign3A_236 : i32 to vector<16xi32>
        %sign3A_238 = arith.ori %sign3A_237, %sign3A_235 : vector<16xi32>
        %sign3A_239 = tpu.bitcast %sign3A_238 : vector<16xi32> -> vector<16xf32>
        %sign3A_240 = math.absf %sub3A_231 : vector<16xf32>
        %sign3A_241 = arith.constant 0.000000e+00 : f32
        %sign3A_242 = vector.broadcast %sign3A_241 : f32 to vector<16xf32>
        %sign3A_243 = arith.cmpf ogt, %sign3A_240, %sign3A_242 : vector<16xf32>
        %sign3A_244 = arith.select %sign3A_243, %sign3A_239, %sub3A_231 : vector<16xi1>, vector<16xf32>
        %mul3A_245 = arith.mulf %mul3A_226, %sign3A_244 : vector<16xf32>
        %add3A_246 = arith.addf %add3A_215, %mul3A_245 : vector<16xf32>
        %add3A_247 = arith.constant 48 : i32
        %add3A_248 = arith.addi %mul3A_158, %add3A_247 : i32
        %get3A_249 = arith.index_cast %add3A_248 : i32 to index
        %get3A_250 = tpu.vector_load %arg12[%get3A_249] {strides = array<i32>} : memref<8192xf32, #tpu.memory_space<vmem>>, vector<16xf32>,
        %get3A_251 = arith.index_cast %add3A_248 : i32 to index
        %get3A_252 = tpu.vector_load %arg13[%get3A_251] {strides = array<i32>} : memref<8192xf32, #tpu.memory_space<vmem>>, vector<16xf32>,
        %get3A_253 = arith.index_cast %add3A_248 : i32 to index
        %get3A_254 = tpu.vector_load %arg14[%get3A_253] {strides = array<i32>} : memref<8192xi32, #tpu.memory_space<vmem>>, vector<16xi32>,
        %sub3A_255 = arith.subf %get3A_250, %get3A_252 : vector<16xf32>
        %abs3A_256 = math.absf %sub3A_255 : vector<16xf32>
        %mul3A_257 = arith.mulf %sub3A_255, %abs3A_256 : vector<16xf32>
        %add3A_258 = vector.broadcast %mul3A_158 : i32 to vector<16xi32>
        %add3A_259 = arith.addi %add3A_258, %get3A_254 : vector<16xi32>
        %gather3A_260 = tpu.vector_load_idx %arg12[%add3A_259] : memref<8192xf32, #tpu.memory_space<vmem>>[vector<16xi32>], vector<16xf32>,
        %gather3A_261 = tpu.vector_load_idx %arg13[%add3A_259] : memref<8192xf32, #tpu.memory_space<vmem>>[vector<16xi32>], vector<16xf32>,
        %sub3A_262 = arith.subf %gather3A_260, %gather3A_261 : vector<16xf32>
        %sign3A_263 = tpu.bitcast %sub3A_262 : vector<16xf32> -> vector<16xi32>
        %sign3A_264 = arith.constant -2147483648 : i32
        %sign3A_265 = vector.broadcast %sign3A_264 : i32 to vector<16xi32>
        %sign3A_266 = arith.andi %sign3A_263, %sign3A_265 : vector<16xi32>
        %sign3A_267 = arith.constant 1065353216 : i32
        %sign3A_268 = vector.broadcast %sign3A_267 : i32 to vector<16xi32>
        %sign3A_269 = arith.ori %sign3A_268, %sign3A_266 : vector<16xi32>
        %sign3A_270 = tpu.bitcast %sign3A_269 : vector<16xi32> -> vector<16xf32>
        %sign3A_271 = math.absf %sub3A_262 : vector<16xf32>
        %sign3A_272 = arith.constant 0.000000e+00 : f32
        %sign3A_273 = vector.broadcast %sign3A_272 : f32 to vector<16xf32>
        %sign3A_274 = arith.cmpf ogt, %sign3A_271, %sign3A_273 : vector<16xf32>
        %sign3A_275 = arith.select %sign3A_274, %sign3A_270, %sub3A_262 : vector<16xi1>, vector<16xf32>
        %mul3A_276 = arith.mulf %mul3A_257, %sign3A_275 : vector<16xf32>
        %add3A_277 = arith.addf %add3A_246, %mul3A_276 : vector<16xf32>
        %add3A_278 = arith.constant 64 : i32
        %add3A_279 = arith.addi %mul3A_158, %add3A_278 : i32
        %get3A_280 = arith.index_cast %add3A_279 : i32 to index
        %get3A_281 = tpu.vector_load %arg12[%get3A_280] {strides = array<i32>} : memref<8192xf32, #tpu.memory_space<vmem>>, vector<16xf32>,
        %get3A_282 = arith.index_cast %add3A_279 : i32 to index
        %get3A_283 = tpu.vector_load %arg13[%get3A_282] {strides = array<i32>} : memref<8192xf32, #tpu.memory_space<vmem>>, vector<16xf32>,
        %get3A_284 = arith.index_cast %add3A_279 : i32 to index
        %get3A_285 = tpu.vector_load %arg14[%get3A_284] {strides = array<i32>} : memref<8192xi32, #tpu.memory_space<vmem>>, vector<16xi32>,
        %sub3A_286 = arith.subf %get3A_281, %get3A_283 : vector<16xf32>
        %abs3A_287 = math.absf %sub3A_286 : vector<16xf32>
        %mul3A_288 = arith.mulf %sub3A_286, %abs3A_287 : vector<16xf32>
        %add3A_289 = vector.broadcast %mul3A_158 : i32 to vector<16xi32>
        %add3A_290 = arith.addi %add3A_289, %get3A_285 : vector<16xi32>
        %gather3A_291 = tpu.vector_load_idx %arg12[%add3A_290] : memref<8192xf32, #tpu.memory_space<vmem>>[vector<16xi32>], vector<16xf32>,
        %gather3A_292 = tpu.vector_load_idx %arg13[%add3A_290] : memref<8192xf32, #tpu.memory_space<vmem>>[vector<16xi32>], vector<16xf32>,
        %sub3A_293 = arith.subf %gather3A_291, %gather3A_292 : vector<16xf32>
        %sign3A_294 = tpu.bitcast %sub3A_293 : vector<16xf32> -> vector<16xi32>
        %sign3A_295 = arith.constant -2147483648 : i32
        %sign3A_296 = vector.broadcast %sign3A_295 : i32 to vector<16xi32>
        %sign3A_297 = arith.andi %sign3A_294, %sign3A_296 : vector<16xi32>
        %sign3A_298 = arith.constant 1065353216 : i32
        %sign3A_299 = vector.broadcast %sign3A_298 : i32 to vector<16xi32>
        %sign3A_300 = arith.ori %sign3A_299, %sign3A_297 : vector<16xi32>
        %sign3A_301 = tpu.bitcast %sign3A_300 : vector<16xi32> -> vector<16xf32>
        %sign3A_302 = math.absf %sub3A_293 : vector<16xf32>
        %sign3A_303 = arith.constant 0.000000e+00 : f32
        %sign3A_304 = vector.broadcast %sign3A_303 : f32 to vector<16xf32>
        %sign3A_305 = arith.cmpf ogt, %sign3A_302, %sign3A_304 : vector<16xf32>
        %sign3A_306 = arith.select %sign3A_305, %sign3A_301, %sub3A_293 : vector<16xi1>, vector<16xf32>
        %mul3A_307 = arith.mulf %mul3A_288, %sign3A_306 : vector<16xf32>
        %add3A_308 = arith.addf %add3A_277, %mul3A_307 : vector<16xf32>
        %add3A_309 = arith.constant 80 : i32
        %add3A_310 = arith.addi %mul3A_158, %add3A_309 : i32
        %get3A_311 = arith.index_cast %add3A_310 : i32 to index
        %get3A_312 = tpu.vector_load %arg12[%get3A_311] {strides = array<i32>} : memref<8192xf32, #tpu.memory_space<vmem>>, vector<16xf32>,
        %get3A_313 = arith.index_cast %add3A_310 : i32 to index
        %get3A_314 = tpu.vector_load %arg13[%get3A_313] {strides = array<i32>} : memref<8192xf32, #tpu.memory_space<vmem>>, vector<16xf32>,
        %get3A_315 = arith.index_cast %add3A_310 : i32 to index
        %get3A_316 = tpu.vector_load %arg14[%get3A_315] {strides = array<i32>} : memref<8192xi32, #tpu.memory_space<vmem>>, vector<16xi32>,
        %sub3A_317 = arith.subf %get3A_312, %get3A_314 : vector<16xf32>
        %abs3A_318 = math.absf %sub3A_317 : vector<16xf32>
        %mul3A_319 = arith.mulf %sub3A_317, %abs3A_318 : vector<16xf32>
        %add3A_320 = vector.broadcast %mul3A_158 : i32 to vector<16xi32>
        %add3A_321 = arith.addi %add3A_320, %get3A_316 : vector<16xi32>
        %gather3A_322 = tpu.vector_load_idx %arg12[%add3A_321] : memref<8192xf32, #tpu.memory_space<vmem>>[vector<16xi32>], vector<16xf32>,
        %gather3A_323 = tpu.vector_load_idx %arg13[%add3A_321] : memref<8192xf32, #tpu.memory_space<vmem>>[vector<16xi32>], vector<16xf32>,
        %sub3A_324 = arith.subf %gather3A_322, %gather3A_323 : vector<16xf32>
        %sign3A_325 = tpu.bitcast %sub3A_324 : vector<16xf32> -> vector<16xi32>
        %sign3A_326 = arith.constant -2147483648 : i32
        %sign3A_327 = vector.broadcast %sign3A_326 : i32 to vector<16xi32>
        %sign3A_328 = arith.andi %sign3A_325, %sign3A_327 : vector<16xi32>
        %sign3A_329 = arith.constant 1065353216 : i32
        %sign3A_330 = vector.broadcast %sign3A_329 : i32 to vector<16xi32>
        %sign3A_331 = arith.ori %sign3A_330, %sign3A_328 : vector<16xi32>
        %sign3A_332 = tpu.bitcast %sign3A_331 : vector<16xi32> -> vector<16xf32>
        %sign3A_333 = math.absf %sub3A_324 : vector<16xf32>
        %sign3A_334 = arith.constant 0.000000e+00 : f32
        %sign3A_335 = vector.broadcast %sign3A_334 : f32 to vector<16xf32>
        %sign3A_336 = arith.cmpf ogt, %sign3A_333, %sign3A_335 : vector<16xf32>
        %sign3A_337 = arith.select %sign3A_336, %sign3A_332, %sub3A_324 : vector<16xi1>, vector<16xf32>
        %mul3A_338 = arith.mulf %mul3A_319, %sign3A_337 : vector<16xf32>
        %add3A_339 = arith.addf %add3A_308, %mul3A_338 : vector<16xf32>
        %add3A_340 = arith.constant 96 : i32
        %add3A_341 = arith.addi %mul3A_158, %add3A_340 : i32
        %get3A_342 = arith.index_cast %add3A_341 : i32 to index
        %get3A_343 = tpu.vector_load %arg12[%get3A_342] {strides = array<i32>} : memref<8192xf32, #tpu.memory_space<vmem>>, vector<16xf32>,
        %get3A_344 = arith.index_cast %add3A_341 : i32 to index
        %get3A_345 = tpu.vector_load %arg13[%get3A_344] {strides = array<i32>} : memref<8192xf32, #tpu.memory_space<vmem>>, vector<16xf32>,
        %get3A_346 = arith.index_cast %add3A_341 : i32 to index
        %get3A_347 = tpu.vector_load %arg14[%get3A_346] {strides = array<i32>} : memref<8192xi32, #tpu.memory_space<vmem>>, vector<16xi32>,
        %sub3A_348 = arith.subf %get3A_343, %get3A_345 : vector<16xf32>
        %abs3A_349 = math.absf %sub3A_348 : vector<16xf32>
        %mul3A_350 = arith.mulf %sub3A_348, %abs3A_349 : vector<16xf32>
        %add3A_351 = vector.broadcast %mul3A_158 : i32 to vector<16xi32>
        %add3A_352 = arith.addi %add3A_351, %get3A_347 : vector<16xi32>
        %gather3A_353 = tpu.vector_load_idx %arg12[%add3A_352] : memref<8192xf32, #tpu.memory_space<vmem>>[vector<16xi32>], vector<16xf32>,
        %gather3A_354 = tpu.vector_load_idx %arg13[%add3A_352] : memref<8192xf32, #tpu.memory_space<vmem>>[vector<16xi32>], vector<16xf32>,
        %sub3A_355 = arith.subf %gather3A_353, %gather3A_354 : vector<16xf32>
        %sign3A_356 = tpu.bitcast %sub3A_355 : vector<16xf32> -> vector<16xi32>
        %sign3A_357 = arith.constant -2147483648 : i32
        %sign3A_358 = vector.broadcast %sign3A_357 : i32 to vector<16xi32>
        %sign3A_359 = arith.andi %sign3A_356, %sign3A_358 : vector<16xi32>
        %sign3A_360 = arith.constant 1065353216 : i32
        %sign3A_361 = vector.broadcast %sign3A_360 : i32 to vector<16xi32>
        %sign3A_362 = arith.ori %sign3A_361, %sign3A_359 : vector<16xi32>
        %sign3A_363 = tpu.bitcast %sign3A_362 : vector<16xi32> -> vector<16xf32>
        %sign3A_364 = math.absf %sub3A_355 : vector<16xf32>
        %sign3A_365 = arith.constant 0.000000e+00 : f32
        %sign3A_366 = vector.broadcast %sign3A_365 : f32 to vector<16xf32>
        %sign3A_367 = arith.cmpf ogt, %sign3A_364, %sign3A_366 : vector<16xf32>
        %sign3A_368 = arith.select %sign3A_367, %sign3A_363, %sub3A_355 : vector<16xi1>, vector<16xf32>
        %mul3A_369 = arith.mulf %mul3A_350, %sign3A_368 : vector<16xf32>
        %add3A_370 = arith.addf %add3A_339, %mul3A_369 : vector<16xf32>
        %add3A_371 = arith.constant 112 : i32
        %add3A_372 = arith.addi %mul3A_158, %add3A_371 : i32
        %get3A_373 = arith.index_cast %add3A_372 : i32 to index
        %get3A_374 = tpu.vector_load %arg12[%get3A_373] {strides = array<i32>} : memref<8192xf32, #tpu.memory_space<vmem>>, vector<16xf32>,
        %get3A_375 = arith.index_cast %add3A_372 : i32 to index
        %get3A_376 = tpu.vector_load %arg13[%get3A_375] {strides = array<i32>} : memref<8192xf32, #tpu.memory_space<vmem>>, vector<16xf32>,
        %get3A_377 = arith.index_cast %add3A_372 : i32 to index
        %get3A_378 = tpu.vector_load %arg14[%get3A_377] {strides = array<i32>} : memref<8192xi32, #tpu.memory_space<vmem>>, vector<16xi32>,
        %sub3A_379 = arith.subf %get3A_374, %get3A_376 : vector<16xf32>
        %abs3A_380 = math.absf %sub3A_379 : vector<16xf32>
        %mul3A_381 = arith.mulf %sub3A_379, %abs3A_380 : vector<16xf32>
        %add3A_382 = vector.broadcast %mul3A_158 : i32 to vector<16xi32>
        %add3A_383 = arith.addi %add3A_382, %get3A_378 : vector<16xi32>
        %gather3A_384 = tpu.vector_load_idx %arg12[%add3A_383] : memref<8192xf32, #tpu.memory_space<vmem>>[vector<16xi32>], vector<16xf32>,
        %gather3A_385 = tpu.vector_load_idx %arg13[%add3A_383] : memref<8192xf32, #tpu.memory_space<vmem>>[vector<16xi32>], vector<16xf32>,
        %sub3A_386 = arith.subf %gather3A_384, %gather3A_385 : vector<16xf32>
        %sign3A_387 = tpu.bitcast %sub3A_386 : vector<16xf32> -> vector<16xi32>
        %sign3A_388 = arith.constant -2147483648 : i32
        %sign3A_389 = vector.broadcast %sign3A_388 : i32 to vector<16xi32>
        %sign3A_390 = arith.andi %sign3A_387, %sign3A_389 : vector<16xi32>
        %sign3A_391 = arith.constant 1065353216 : i32
        %sign3A_392 = vector.broadcast %sign3A_391 : i32 to vector<16xi32>
        %sign3A_393 = arith.ori %sign3A_392, %sign3A_390 : vector<16xi32>
        %sign3A_394 = tpu.bitcast %sign3A_393 : vector<16xi32> -> vector<16xf32>
        %sign3A_395 = math.absf %sub3A_386 : vector<16xf32>
        %sign3A_396 = arith.constant 0.000000e+00 : f32
        %sign3A_397 = vector.broadcast %sign3A_396 : f32 to vector<16xf32>
        %sign3A_398 = arith.cmpf ogt, %sign3A_395, %sign3A_397 : vector<16xf32>
        %sign3A_399 = arith.select %sign3A_398, %sign3A_394, %sub3A_386 : vector<16xi1>, vector<16xf32>
        %mul3A_400 = arith.mulf %mul3A_381, %sign3A_399 : vector<16xf32>
        %add3A_401 = arith.addf %add3A_370, %mul3A_400 : vector<16xf32>
        scf.yield %add3A_401 : vector<16xf32>
      }
      %scan3A_118 = arith.constant 64 : i32
      %add3A_119 = arith.constant 4 : i32
      %add3A_120 = arith.addi %add3A_100, %add3A_119 : i32
      %lt3A_121 = arith.constant 64 : i32
      %lt3A_122 = arith.cmpi slt, %add3A_120, %lt3A_121 : i32
      %convert_element_type3A_123 = arith.extui %lt3A_122 : i1 to i32
      %cond3A_124 = arith.constant 0 : i32
      %cond3A_125 = arith.cmpi ne, %convert_element_type3A_123, %cond3A_124 : i32
      scf.if %cond3A_125 {
        %add3A_155 = arith.constant 4 : i32
        %add3A_156 = arith.addi %add3A_100, %add3A_155 : i32
        %mul3A_157 = arith.constant 8192 : i32
        %mul3A_158 = arith.muli %add3A_156, %mul3A_157 : i32
        %add3A_159 = arith.addi %mul3A_2, %mul3A_158 : i32
        %dma_start3A_160 = tpu.memref_slice %arg2[%add3A_159] : memref<33554432xf32, #tpu.memory_space<hbm>> -> memref<8192xf32, #tpu.memory_space<hbm>>
        %dma_start3A_161 = tpu.memref_slice %arg2[%add3A_159] : memref<33554432xf32, #tpu.memory_space<hbm>> -> memref<8192xf32, #tpu.memory_space<hbm>>
        tpu.enqueue_dma source(%dma_start3A_161 : memref<8192xf32, #tpu.memory_space<hbm>>) target(%arg12 : memref<8192xf32, #tpu.memory_space<vmem>>) target_semaphore(%arg21 : memref<!tpu.dma_semaphore, #tpu.memory_space<semaphore_mem>>)
        %dma_start3A_162 = tpu.memref_slice %arg3[%add3A_159] : memref<33554432xf32, #tpu.memory_space<hbm>> -> memref<8192xf32, #tpu.memory_space<hbm>>
        %dma_start3A_163 = tpu.memref_slice %arg3[%add3A_159] : memref<33554432xf32, #tpu.memory_space<hbm>> -> memref<8192xf32, #tpu.memory_space<hbm>>
        tpu.enqueue_dma source(%dma_start3A_163 : memref<8192xf32, #tpu.memory_space<hbm>>) target(%arg13 : memref<8192xf32, #tpu.memory_space<vmem>>) target_semaphore(%arg21 : memref<!tpu.dma_semaphore, #tpu.memory_space<semaphore_mem>>)
        %dma_start3A_164 = tpu.memref_slice %arg4[%add3A_159] : memref<33554432xi32, #tpu.memory_space<hbm>> -> memref<8192xi32, #tpu.memory_space<hbm>>
        %dma_start3A_165 = tpu.memref_slice %arg4[%add3A_159] : memref<33554432xi32, #tpu.memory_space<hbm>> -> memref<8192xi32, #tpu.memory_space<hbm>>
        tpu.enqueue_dma source(%dma_start3A_165 : memref<8192xi32, #tpu.memory_space<hbm>>) target(%arg14 : memref<8192xi32, #tpu.memory_space<vmem>>) target_semaphore(%arg21 : memref<!tpu.dma_semaphore, #tpu.memory_space<semaphore_mem>>)
      } else {
      }
      %mul3A_126 = arith.constant 4 : i32
      %mul3A_127 = arith.muli %scan3A_41, %mul3A_126 : i32
      %add3A_128 = arith.constant 3 : i32
      %add3A_129 = arith.addi %mul3A_127, %add3A_128 : i32
      %dma_wait3A_130 = arith.constant 0 : i32
      %dma_wait3A_131 = tpu.memref_slice %arg2[%dma_wait3A_130] : memref<33554432xf32, #tpu.memory_space<hbm>> -> memref<8192xf32, #tpu.memory_space<hbm>>
      %dma_wait3A_132 = arith.constant 0 : i32
      %dma_wait3A_133 = tpu.memref_slice %arg2[%dma_wait3A_132] : memref<33554432xf32, #tpu.memory_space<hbm>> -> memref<8192xf32, #tpu.memory_space<hbm>>
      tpu.wait_dma2 semaphore(%arg22 : memref<!tpu.dma_semaphore, #tpu.memory_space<semaphore_mem>>) src(%dma_wait3A_133 : memref<8192xf32, #tpu.memory_space<hbm>>) dst(%arg15 : memref<8192xf32, #tpu.memory_space<vmem>>)
      %dma_wait3A_134 = arith.constant 0 : i32
      %dma_wait3A_135 = tpu.memref_slice %arg3[%dma_wait3A_134] : memref<33554432xf32, #tpu.memory_space<hbm>> -> memref<8192xf32, #tpu.memory_space<hbm>>
      %dma_wait3A_136 = arith.constant 0 : i32
      %dma_wait3A_137 = tpu.memref_slice %arg3[%dma_wait3A_136] : memref<33554432xf32, #tpu.memory_space<hbm>> -> memref<8192xf32, #tpu.memory_space<hbm>>
      tpu.wait_dma2 semaphore(%arg22 : memref<!tpu.dma_semaphore, #tpu.memory_space<semaphore_mem>>) src(%dma_wait3A_137 : memref<8192xf32, #tpu.memory_space<hbm>>) dst(%arg16 : memref<8192xf32, #tpu.memory_space<vmem>>)
      %dma_wait3A_138 = arith.constant 0 : i32
      %dma_wait3A_139 = tpu.memref_slice %arg4[%dma_wait3A_138] : memref<33554432xi32, #tpu.memory_space<hbm>> -> memref<8192xi32, #tpu.memory_space<hbm>>
      %dma_wait3A_140 = arith.constant 0 : i32
      %dma_wait3A_141 = tpu.memref_slice %arg4[%dma_wait3A_140] : memref<33554432xi32, #tpu.memory_space<hbm>> -> memref<8192xi32, #tpu.memory_space<hbm>>
      tpu.wait_dma2 semaphore(%arg22 : memref<!tpu.dma_semaphore, #tpu.memory_space<semaphore_mem>>) src(%dma_wait3A_141 : memref<8192xi32, #tpu.memory_space<hbm>>) dst(%arg17 : memref<8192xi32, #tpu.memory_space<vmem>>)
      %scan3A_142 = arith.constant 0 : i32
      %scan3A_143 = arith.constant 64 : i32
      %scan3A_144 = arith.addi %scan3A_142, %scan3A_143 : i32
      %scan3A_145 = arith.constant 1 : i32
      %scan3A_146 = scf.for %scan3A_155 = %scan3A_142 to %scan3A_144 step %scan3A_145 iter_args(%scan3A_156 = %scan3A_117) -> (vector<16xf32>)  : i32 {
        %mul3A_157 = arith.constant 128 : i32
        %mul3A_158 = arith.muli %scan3A_155, %mul3A_157 : i32
        %add3A_159 = arith.constant 0 : i32
        %add3A_160 = arith.addi %mul3A_158, %add3A_159 : i32
        %get3A = arith.index_cast %add3A_160 : i32 to index
        %get3A_161 = tpu.vector_load %arg15[%get3A] {strides = array<i32>} : memref<8192xf32, #tpu.memory_space<vmem>>, vector<16xf32>,
        %get3A_162 = arith.index_cast %add3A_160 : i32 to index
        %get3A_163 = tpu.vector_load %arg16[%get3A_162] {strides = array<i32>} : memref<8192xf32, #tpu.memory_space<vmem>>, vector<16xf32>,
        %get3A_164 = arith.index_cast %add3A_160 : i32 to index
        %get3A_165 = tpu.vector_load %arg17[%get3A_164] {strides = array<i32>} : memref<8192xi32, #tpu.memory_space<vmem>>, vector<16xi32>,
        %sub3A = arith.subf %get3A_161, %get3A_163 : vector<16xf32>
        %abs3A = math.absf %sub3A : vector<16xf32>
        %mul3A_166 = arith.mulf %sub3A, %abs3A : vector<16xf32>
        %add3A_167 = vector.broadcast %mul3A_158 : i32 to vector<16xi32>
        %add3A_168 = arith.addi %add3A_167, %get3A_165 : vector<16xi32>
        %gather3A = tpu.vector_load_idx %arg15[%add3A_168] : memref<8192xf32, #tpu.memory_space<vmem>>[vector<16xi32>], vector<16xf32>,
        %gather3A_169 = tpu.vector_load_idx %arg16[%add3A_168] : memref<8192xf32, #tpu.memory_space<vmem>>[vector<16xi32>], vector<16xf32>,
        %sub3A_170 = arith.subf %gather3A, %gather3A_169 : vector<16xf32>
        %sign3A = tpu.bitcast %sub3A_170 : vector<16xf32> -> vector<16xi32>
        %sign3A_171 = arith.constant -2147483648 : i32
        %sign3A_172 = vector.broadcast %sign3A_171 : i32 to vector<16xi32>
        %sign3A_173 = arith.andi %sign3A, %sign3A_172 : vector<16xi32>
        %sign3A_174 = arith.constant 1065353216 : i32
        %sign3A_175 = vector.broadcast %sign3A_174 : i32 to vector<16xi32>
        %sign3A_176 = arith.ori %sign3A_175, %sign3A_173 : vector<16xi32>
        %sign3A_177 = tpu.bitcast %sign3A_176 : vector<16xi32> -> vector<16xf32>
        %sign3A_178 = math.absf %sub3A_170 : vector<16xf32>
        %sign3A_179 = arith.constant 0.000000e+00 : f32
        %sign3A_180 = vector.broadcast %sign3A_179 : f32 to vector<16xf32>
        %sign3A_181 = arith.cmpf ogt, %sign3A_178, %sign3A_180 : vector<16xf32>
        %sign3A_182 = arith.select %sign3A_181, %sign3A_177, %sub3A_170 : vector<16xi1>, vector<16xf32>
        %mul3A_183 = arith.mulf %mul3A_166, %sign3A_182 : vector<16xf32>
        %add3A_184 = arith.addf %scan3A_156, %mul3A_183 : vector<16xf32>
        %add3A_185 = arith.constant 16 : i32
        %add3A_186 = arith.addi %mul3A_158, %add3A_185 : i32
        %get3A_187 = arith.index_cast %add3A_186 : i32 to index
        %get3A_188 = tpu.vector_load %arg15[%get3A_187] {strides = array<i32>} : memref<8192xf32, #tpu.memory_space<vmem>>, vector<16xf32>,
        %get3A_189 = arith.index_cast %add3A_186 : i32 to index
        %get3A_190 = tpu.vector_load %arg16[%get3A_189] {strides = array<i32>} : memref<8192xf32, #tpu.memory_space<vmem>>, vector<16xf32>,
        %get3A_191 = arith.index_cast %add3A_186 : i32 to index
        %get3A_192 = tpu.vector_load %arg17[%get3A_191] {strides = array<i32>} : memref<8192xi32, #tpu.memory_space<vmem>>, vector<16xi32>,
        %sub3A_193 = arith.subf %get3A_188, %get3A_190 : vector<16xf32>
        %abs3A_194 = math.absf %sub3A_193 : vector<16xf32>
        %mul3A_195 = arith.mulf %sub3A_193, %abs3A_194 : vector<16xf32>
        %add3A_196 = vector.broadcast %mul3A_158 : i32 to vector<16xi32>
        %add3A_197 = arith.addi %add3A_196, %get3A_192 : vector<16xi32>
        %gather3A_198 = tpu.vector_load_idx %arg15[%add3A_197] : memref<8192xf32, #tpu.memory_space<vmem>>[vector<16xi32>], vector<16xf32>,
        %gather3A_199 = tpu.vector_load_idx %arg16[%add3A_197] : memref<8192xf32, #tpu.memory_space<vmem>>[vector<16xi32>], vector<16xf32>,
        %sub3A_200 = arith.subf %gather3A_198, %gather3A_199 : vector<16xf32>
        %sign3A_201 = tpu.bitcast %sub3A_200 : vector<16xf32> -> vector<16xi32>
        %sign3A_202 = arith.constant -2147483648 : i32
        %sign3A_203 = vector.broadcast %sign3A_202 : i32 to vector<16xi32>
        %sign3A_204 = arith.andi %sign3A_201, %sign3A_203 : vector<16xi32>
        %sign3A_205 = arith.constant 1065353216 : i32
        %sign3A_206 = vector.broadcast %sign3A_205 : i32 to vector<16xi32>
        %sign3A_207 = arith.ori %sign3A_206, %sign3A_204 : vector<16xi32>
        %sign3A_208 = tpu.bitcast %sign3A_207 : vector<16xi32> -> vector<16xf32>
        %sign3A_209 = math.absf %sub3A_200 : vector<16xf32>
        %sign3A_210 = arith.constant 0.000000e+00 : f32
        %sign3A_211 = vector.broadcast %sign3A_210 : f32 to vector<16xf32>
        %sign3A_212 = arith.cmpf ogt, %sign3A_209, %sign3A_211 : vector<16xf32>
        %sign3A_213 = arith.select %sign3A_212, %sign3A_208, %sub3A_200 : vector<16xi1>, vector<16xf32>
        %mul3A_214 = arith.mulf %mul3A_195, %sign3A_213 : vector<16xf32>
        %add3A_215 = arith.addf %add3A_184, %mul3A_214 : vector<16xf32>
        %add3A_216 = arith.constant 32 : i32
        %add3A_217 = arith.addi %mul3A_158, %add3A_216 : i32
        %get3A_218 = arith.index_cast %add3A_217 : i32 to index
        %get3A_219 = tpu.vector_load %arg15[%get3A_218] {strides = array<i32>} : memref<8192xf32, #tpu.memory_space<vmem>>, vector<16xf32>,
        %get3A_220 = arith.index_cast %add3A_217 : i32 to index
        %get3A_221 = tpu.vector_load %arg16[%get3A_220] {strides = array<i32>} : memref<8192xf32, #tpu.memory_space<vmem>>, vector<16xf32>,
        %get3A_222 = arith.index_cast %add3A_217 : i32 to index
        %get3A_223 = tpu.vector_load %arg17[%get3A_222] {strides = array<i32>} : memref<8192xi32, #tpu.memory_space<vmem>>, vector<16xi32>,
        %sub3A_224 = arith.subf %get3A_219, %get3A_221 : vector<16xf32>
        %abs3A_225 = math.absf %sub3A_224 : vector<16xf32>
        %mul3A_226 = arith.mulf %sub3A_224, %abs3A_225 : vector<16xf32>
        %add3A_227 = vector.broadcast %mul3A_158 : i32 to vector<16xi32>
        %add3A_228 = arith.addi %add3A_227, %get3A_223 : vector<16xi32>
        %gather3A_229 = tpu.vector_load_idx %arg15[%add3A_228] : memref<8192xf32, #tpu.memory_space<vmem>>[vector<16xi32>], vector<16xf32>,
        %gather3A_230 = tpu.vector_load_idx %arg16[%add3A_228] : memref<8192xf32, #tpu.memory_space<vmem>>[vector<16xi32>], vector<16xf32>,
        %sub3A_231 = arith.subf %gather3A_229, %gather3A_230 : vector<16xf32>
        %sign3A_232 = tpu.bitcast %sub3A_231 : vector<16xf32> -> vector<16xi32>
        %sign3A_233 = arith.constant -2147483648 : i32
        %sign3A_234 = vector.broadcast %sign3A_233 : i32 to vector<16xi32>
        %sign3A_235 = arith.andi %sign3A_232, %sign3A_234 : vector<16xi32>
        %sign3A_236 = arith.constant 1065353216 : i32
        %sign3A_237 = vector.broadcast %sign3A_236 : i32 to vector<16xi32>
        %sign3A_238 = arith.ori %sign3A_237, %sign3A_235 : vector<16xi32>
        %sign3A_239 = tpu.bitcast %sign3A_238 : vector<16xi32> -> vector<16xf32>
        %sign3A_240 = math.absf %sub3A_231 : vector<16xf32>
        %sign3A_241 = arith.constant 0.000000e+00 : f32
        %sign3A_242 = vector.broadcast %sign3A_241 : f32 to vector<16xf32>
        %sign3A_243 = arith.cmpf ogt, %sign3A_240, %sign3A_242 : vector<16xf32>
        %sign3A_244 = arith.select %sign3A_243, %sign3A_239, %sub3A_231 : vector<16xi1>, vector<16xf32>
        %mul3A_245 = arith.mulf %mul3A_226, %sign3A_244 : vector<16xf32>
        %add3A_246 = arith.addf %add3A_215, %mul3A_245 : vector<16xf32>
        %add3A_247 = arith.constant 48 : i32
        %add3A_248 = arith.addi %mul3A_158, %add3A_247 : i32
        %get3A_249 = arith.index_cast %add3A_248 : i32 to index
        %get3A_250 = tpu.vector_load %arg15[%get3A_249] {strides = array<i32>} : memref<8192xf32, #tpu.memory_space<vmem>>, vector<16xf32>,
        %get3A_251 = arith.index_cast %add3A_248 : i32 to index
        %get3A_252 = tpu.vector_load %arg16[%get3A_251] {strides = array<i32>} : memref<8192xf32, #tpu.memory_space<vmem>>, vector<16xf32>,
        %get3A_253 = arith.index_cast %add3A_248 : i32 to index
        %get3A_254 = tpu.vector_load %arg17[%get3A_253] {strides = array<i32>} : memref<8192xi32, #tpu.memory_space<vmem>>, vector<16xi32>,
        %sub3A_255 = arith.subf %get3A_250, %get3A_252 : vector<16xf32>
        %abs3A_256 = math.absf %sub3A_255 : vector<16xf32>
        %mul3A_257 = arith.mulf %sub3A_255, %abs3A_256 : vector<16xf32>
        %add3A_258 = vector.broadcast %mul3A_158 : i32 to vector<16xi32>
        %add3A_259 = arith.addi %add3A_258, %get3A_254 : vector<16xi32>
        %gather3A_260 = tpu.vector_load_idx %arg15[%add3A_259] : memref<8192xf32, #tpu.memory_space<vmem>>[vector<16xi32>], vector<16xf32>,
        %gather3A_261 = tpu.vector_load_idx %arg16[%add3A_259] : memref<8192xf32, #tpu.memory_space<vmem>>[vector<16xi32>], vector<16xf32>,
        %sub3A_262 = arith.subf %gather3A_260, %gather3A_261 : vector<16xf32>
        %sign3A_263 = tpu.bitcast %sub3A_262 : vector<16xf32> -> vector<16xi32>
        %sign3A_264 = arith.constant -2147483648 : i32
        %sign3A_265 = vector.broadcast %sign3A_264 : i32 to vector<16xi32>
        %sign3A_266 = arith.andi %sign3A_263, %sign3A_265 : vector<16xi32>
        %sign3A_267 = arith.constant 1065353216 : i32
        %sign3A_268 = vector.broadcast %sign3A_267 : i32 to vector<16xi32>
        %sign3A_269 = arith.ori %sign3A_268, %sign3A_266 : vector<16xi32>
        %sign3A_270 = tpu.bitcast %sign3A_269 : vector<16xi32> -> vector<16xf32>
        %sign3A_271 = math.absf %sub3A_262 : vector<16xf32>
        %sign3A_272 = arith.constant 0.000000e+00 : f32
        %sign3A_273 = vector.broadcast %sign3A_272 : f32 to vector<16xf32>
        %sign3A_274 = arith.cmpf ogt, %sign3A_271, %sign3A_273 : vector<16xf32>
        %sign3A_275 = arith.select %sign3A_274, %sign3A_270, %sub3A_262 : vector<16xi1>, vector<16xf32>
        %mul3A_276 = arith.mulf %mul3A_257, %sign3A_275 : vector<16xf32>
        %add3A_277 = arith.addf %add3A_246, %mul3A_276 : vector<16xf32>
        %add3A_278 = arith.constant 64 : i32
        %add3A_279 = arith.addi %mul3A_158, %add3A_278 : i32
        %get3A_280 = arith.index_cast %add3A_279 : i32 to index
        %get3A_281 = tpu.vector_load %arg15[%get3A_280] {strides = array<i32>} : memref<8192xf32, #tpu.memory_space<vmem>>, vector<16xf32>,
        %get3A_282 = arith.index_cast %add3A_279 : i32 to index
        %get3A_283 = tpu.vector_load %arg16[%get3A_282] {strides = array<i32>} : memref<8192xf32, #tpu.memory_space<vmem>>, vector<16xf32>,
        %get3A_284 = arith.index_cast %add3A_279 : i32 to index
        %get3A_285 = tpu.vector_load %arg17[%get3A_284] {strides = array<i32>} : memref<8192xi32, #tpu.memory_space<vmem>>, vector<16xi32>,
        %sub3A_286 = arith.subf %get3A_281, %get3A_283 : vector<16xf32>
        %abs3A_287 = math.absf %sub3A_286 : vector<16xf32>
        %mul3A_288 = arith.mulf %sub3A_286, %abs3A_287 : vector<16xf32>
        %add3A_289 = vector.broadcast %mul3A_158 : i32 to vector<16xi32>
        %add3A_290 = arith.addi %add3A_289, %get3A_285 : vector<16xi32>
        %gather3A_291 = tpu.vector_load_idx %arg15[%add3A_290] : memref<8192xf32, #tpu.memory_space<vmem>>[vector<16xi32>], vector<16xf32>,
        %gather3A_292 = tpu.vector_load_idx %arg16[%add3A_290] : memref<8192xf32, #tpu.memory_space<vmem>>[vector<16xi32>], vector<16xf32>,
        %sub3A_293 = arith.subf %gather3A_291, %gather3A_292 : vector<16xf32>
        %sign3A_294 = tpu.bitcast %sub3A_293 : vector<16xf32> -> vector<16xi32>
        %sign3A_295 = arith.constant -2147483648 : i32
        %sign3A_296 = vector.broadcast %sign3A_295 : i32 to vector<16xi32>
        %sign3A_297 = arith.andi %sign3A_294, %sign3A_296 : vector<16xi32>
        %sign3A_298 = arith.constant 1065353216 : i32
        %sign3A_299 = vector.broadcast %sign3A_298 : i32 to vector<16xi32>
        %sign3A_300 = arith.ori %sign3A_299, %sign3A_297 : vector<16xi32>
        %sign3A_301 = tpu.bitcast %sign3A_300 : vector<16xi32> -> vector<16xf32>
        %sign3A_302 = math.absf %sub3A_293 : vector<16xf32>
        %sign3A_303 = arith.constant 0.000000e+00 : f32
        %sign3A_304 = vector.broadcast %sign3A_303 : f32 to vector<16xf32>
        %sign3A_305 = arith.cmpf ogt, %sign3A_302, %sign3A_304 : vector<16xf32>
        %sign3A_306 = arith.select %sign3A_305, %sign3A_301, %sub3A_293 : vector<16xi1>, vector<16xf32>
        %mul3A_307 = arith.mulf %mul3A_288, %sign3A_306 : vector<16xf32>
        %add3A_308 = arith.addf %add3A_277, %mul3A_307 : vector<16xf32>
        %add3A_309 = arith.constant 80 : i32
        %add3A_310 = arith.addi %mul3A_158, %add3A_309 : i32
        %get3A_311 = arith.index_cast %add3A_310 : i32 to index
        %get3A_312 = tpu.vector_load %arg15[%get3A_311] {strides = array<i32>} : memref<8192xf32, #tpu.memory_space<vmem>>, vector<16xf32>,
        %get3A_313 = arith.index_cast %add3A_310 : i32 to index
        %get3A_314 = tpu.vector_load %arg16[%get3A_313] {strides = array<i32>} : memref<8192xf32, #tpu.memory_space<vmem>>, vector<16xf32>,
        %get3A_315 = arith.index_cast %add3A_310 : i32 to index
        %get3A_316 = tpu.vector_load %arg17[%get3A_315] {strides = array<i32>} : memref<8192xi32, #tpu.memory_space<vmem>>, vector<16xi32>,
        %sub3A_317 = arith.subf %get3A_312, %get3A_314 : vector<16xf32>
        %abs3A_318 = math.absf %sub3A_317 : vector<16xf32>
        %mul3A_319 = arith.mulf %sub3A_317, %abs3A_318 : vector<16xf32>
        %add3A_320 = vector.broadcast %mul3A_158 : i32 to vector<16xi32>
        %add3A_321 = arith.addi %add3A_320, %get3A_316 : vector<16xi32>
        %gather3A_322 = tpu.vector_load_idx %arg15[%add3A_321] : memref<8192xf32, #tpu.memory_space<vmem>>[vector<16xi32>], vector<16xf32>,
        %gather3A_323 = tpu.vector_load_idx %arg16[%add3A_321] : memref<8192xf32, #tpu.memory_space<vmem>>[vector<16xi32>], vector<16xf32>,
        %sub3A_324 = arith.subf %gather3A_322, %gather3A_323 : vector<16xf32>
        %sign3A_325 = tpu.bitcast %sub3A_324 : vector<16xf32> -> vector<16xi32>
        %sign3A_326 = arith.constant -2147483648 : i32
        %sign3A_327 = vector.broadcast %sign3A_326 : i32 to vector<16xi32>
        %sign3A_328 = arith.andi %sign3A_325, %sign3A_327 : vector<16xi32>
        %sign3A_329 = arith.constant 1065353216 : i32
        %sign3A_330 = vector.broadcast %sign3A_329 : i32 to vector<16xi32>
        %sign3A_331 = arith.ori %sign3A_330, %sign3A_328 : vector<16xi32>
        %sign3A_332 = tpu.bitcast %sign3A_331 : vector<16xi32> -> vector<16xf32>
        %sign3A_333 = math.absf %sub3A_324 : vector<16xf32>
        %sign3A_334 = arith.constant 0.000000e+00 : f32
        %sign3A_335 = vector.broadcast %sign3A_334 : f32 to vector<16xf32>
        %sign3A_336 = arith.cmpf ogt, %sign3A_333, %sign3A_335 : vector<16xf32>
        %sign3A_337 = arith.select %sign3A_336, %sign3A_332, %sub3A_324 : vector<16xi1>, vector<16xf32>
        %mul3A_338 = arith.mulf %mul3A_319, %sign3A_337 : vector<16xf32>
        %add3A_339 = arith.addf %add3A_308, %mul3A_338 : vector<16xf32>
        %add3A_340 = arith.constant 96 : i32
        %add3A_341 = arith.addi %mul3A_158, %add3A_340 : i32
        %get3A_342 = arith.index_cast %add3A_341 : i32 to index
        %get3A_343 = tpu.vector_load %arg15[%get3A_342] {strides = array<i32>} : memref<8192xf32, #tpu.memory_space<vmem>>, vector<16xf32>,
        %get3A_344 = arith.index_cast %add3A_341 : i32 to index
        %get3A_345 = tpu.vector_load %arg16[%get3A_344] {strides = array<i32>} : memref<8192xf32, #tpu.memory_space<vmem>>, vector<16xf32>,
        %get3A_346 = arith.index_cast %add3A_341 : i32 to index
        %get3A_347 = tpu.vector_load %arg17[%get3A_346] {strides = array<i32>} : memref<8192xi32, #tpu.memory_space<vmem>>, vector<16xi32>,
        %sub3A_348 = arith.subf %get3A_343, %get3A_345 : vector<16xf32>
        %abs3A_349 = math.absf %sub3A_348 : vector<16xf32>
        %mul3A_350 = arith.mulf %sub3A_348, %abs3A_349 : vector<16xf32>
        %add3A_351 = vector.broadcast %mul3A_158 : i32 to vector<16xi32>
        %add3A_352 = arith.addi %add3A_351, %get3A_347 : vector<16xi32>
        %gather3A_353 = tpu.vector_load_idx %arg15[%add3A_352] : memref<8192xf32, #tpu.memory_space<vmem>>[vector<16xi32>], vector<16xf32>,
        %gather3A_354 = tpu.vector_load_idx %arg16[%add3A_352] : memref<8192xf32, #tpu.memory_space<vmem>>[vector<16xi32>], vector<16xf32>,
        %sub3A_355 = arith.subf %gather3A_353, %gather3A_354 : vector<16xf32>
        %sign3A_356 = tpu.bitcast %sub3A_355 : vector<16xf32> -> vector<16xi32>
        %sign3A_357 = arith.constant -2147483648 : i32
        %sign3A_358 = vector.broadcast %sign3A_357 : i32 to vector<16xi32>
        %sign3A_359 = arith.andi %sign3A_356, %sign3A_358 : vector<16xi32>
        %sign3A_360 = arith.constant 1065353216 : i32
        %sign3A_361 = vector.broadcast %sign3A_360 : i32 to vector<16xi32>
        %sign3A_362 = arith.ori %sign3A_361, %sign3A_359 : vector<16xi32>
        %sign3A_363 = tpu.bitcast %sign3A_362 : vector<16xi32> -> vector<16xf32>
        %sign3A_364 = math.absf %sub3A_355 : vector<16xf32>
        %sign3A_365 = arith.constant 0.000000e+00 : f32
        %sign3A_366 = vector.broadcast %sign3A_365 : f32 to vector<16xf32>
        %sign3A_367 = arith.cmpf ogt, %sign3A_364, %sign3A_366 : vector<16xf32>
        %sign3A_368 = arith.select %sign3A_367, %sign3A_363, %sub3A_355 : vector<16xi1>, vector<16xf32>
        %mul3A_369 = arith.mulf %mul3A_350, %sign3A_368 : vector<16xf32>
        %add3A_370 = arith.addf %add3A_339, %mul3A_369 : vector<16xf32>
        %add3A_371 = arith.constant 112 : i32
        %add3A_372 = arith.addi %mul3A_158, %add3A_371 : i32
        %get3A_373 = arith.index_cast %add3A_372 : i32 to index
        %get3A_374 = tpu.vector_load %arg15[%get3A_373] {strides = array<i32>} : memref<8192xf32, #tpu.memory_space<vmem>>, vector<16xf32>,
        %get3A_375 = arith.index_cast %add3A_372 : i32 to index
        %get3A_376 = tpu.vector_load %arg16[%get3A_375] {strides = array<i32>} : memref<8192xf32, #tpu.memory_space<vmem>>, vector<16xf32>,
        %get3A_377 = arith.index_cast %add3A_372 : i32 to index
        %get3A_378 = tpu.vector_load %arg17[%get3A_377] {strides = array<i32>} : memref<8192xi32, #tpu.memory_space<vmem>>, vector<16xi32>,
        %sub3A_379 = arith.subf %get3A_374, %get3A_376 : vector<16xf32>
        %abs3A_380 = math.absf %sub3A_379 : vector<16xf32>
        %mul3A_381 = arith.mulf %sub3A_379, %abs3A_380 : vector<16xf32>
        %add3A_382 = vector.broadcast %mul3A_158 : i32 to vector<16xi32>
        %add3A_383 = arith.addi %add3A_382, %get3A_378 : vector<16xi32>
        %gather3A_384 = tpu.vector_load_idx %arg15[%add3A_383] : memref<8192xf32, #tpu.memory_space<vmem>>[vector<16xi32>], vector<16xf32>,
        %gather3A_385 = tpu.vector_load_idx %arg16[%add3A_383] : memref<8192xf32, #tpu.memory_space<vmem>>[vector<16xi32>], vector<16xf32>,
        %sub3A_386 = arith.subf %gather3A_384, %gather3A_385 : vector<16xf32>
        %sign3A_387 = tpu.bitcast %sub3A_386 : vector<16xf32> -> vector<16xi32>
        %sign3A_388 = arith.constant -2147483648 : i32
        %sign3A_389 = vector.broadcast %sign3A_388 : i32 to vector<16xi32>
        %sign3A_390 = arith.andi %sign3A_387, %sign3A_389 : vector<16xi32>
        %sign3A_391 = arith.constant 1065353216 : i32
        %sign3A_392 = vector.broadcast %sign3A_391 : i32 to vector<16xi32>
        %sign3A_393 = arith.ori %sign3A_392, %sign3A_390 : vector<16xi32>
        %sign3A_394 = tpu.bitcast %sign3A_393 : vector<16xi32> -> vector<16xf32>
        %sign3A_395 = math.absf %sub3A_386 : vector<16xf32>
        %sign3A_396 = arith.constant 0.000000e+00 : f32
        %sign3A_397 = vector.broadcast %sign3A_396 : f32 to vector<16xf32>
        %sign3A_398 = arith.cmpf ogt, %sign3A_395, %sign3A_397 : vector<16xf32>
        %sign3A_399 = arith.select %sign3A_398, %sign3A_394, %sub3A_386 : vector<16xi1>, vector<16xf32>
        %mul3A_400 = arith.mulf %mul3A_381, %sign3A_399 : vector<16xf32>
        %add3A_401 = arith.addf %add3A_370, %mul3A_400 : vector<16xf32>
        scf.yield %add3A_401 : vector<16xf32>
      }
      %scan3A_147 = arith.constant 64 : i32
      %add3A_148 = arith.constant 4 : i32
      %add3A_149 = arith.addi %add3A_129, %add3A_148 : i32
      %lt3A_150 = arith.constant 64 : i32
      %lt3A_151 = arith.cmpi slt, %add3A_149, %lt3A_150 : i32
      %convert_element_type3A_152 = arith.extui %lt3A_151 : i1 to i32
      %cond3A_153 = arith.constant 0 : i32
      %cond3A_154 = arith.cmpi ne, %convert_element_type3A_152, %cond3A_153 : i32
      scf.if %cond3A_154 {
        %add3A_155 = arith.constant 4 : i32
        %add3A_156 = arith.addi %add3A_129, %add3A_155 : i32
        %mul3A_157 = arith.constant 8192 : i32
        %mul3A_158 = arith.muli %add3A_156, %mul3A_157 : i32
        %add3A_159 = arith.addi %mul3A_2, %mul3A_158 : i32
        %dma_start3A_160 = tpu.memref_slice %arg2[%add3A_159] : memref<33554432xf32, #tpu.memory_space<hbm>> -> memref<8192xf32, #tpu.memory_space<hbm>>
        %dma_start3A_161 = tpu.memref_slice %arg2[%add3A_159] : memref<33554432xf32, #tpu.memory_space<hbm>> -> memref<8192xf32, #tpu.memory_space<hbm>>
        tpu.enqueue_dma source(%dma_start3A_161 : memref<8192xf32, #tpu.memory_space<hbm>>) target(%arg15 : memref<8192xf32, #tpu.memory_space<vmem>>) target_semaphore(%arg22 : memref<!tpu.dma_semaphore, #tpu.memory_space<semaphore_mem>>)
        %dma_start3A_162 = tpu.memref_slice %arg3[%add3A_159] : memref<33554432xf32, #tpu.memory_space<hbm>> -> memref<8192xf32, #tpu.memory_space<hbm>>
        %dma_start3A_163 = tpu.memref_slice %arg3[%add3A_159] : memref<33554432xf32, #tpu.memory_space<hbm>> -> memref<8192xf32, #tpu.memory_space<hbm>>
        tpu.enqueue_dma source(%dma_start3A_163 : memref<8192xf32, #tpu.memory_space<hbm>>) target(%arg16 : memref<8192xf32, #tpu.memory_space<vmem>>) target_semaphore(%arg22 : memref<!tpu.dma_semaphore, #tpu.memory_space<semaphore_mem>>)
        %dma_start3A_164 = tpu.memref_slice %arg4[%add3A_159] : memref<33554432xi32, #tpu.memory_space<hbm>> -> memref<8192xi32, #tpu.memory_space<hbm>>
        %dma_start3A_165 = tpu.memref_slice %arg4[%add3A_159] : memref<33554432xi32, #tpu.memory_space<hbm>> -> memref<8192xi32, #tpu.memory_space<hbm>>
        tpu.enqueue_dma source(%dma_start3A_165 : memref<8192xi32, #tpu.memory_space<hbm>>) target(%arg17 : memref<8192xi32, #tpu.memory_space<vmem>>) target_semaphore(%arg22 : memref<!tpu.dma_semaphore, #tpu.memory_space<semaphore_mem>>)
      } else {
      }
      scf.yield %scan3A_146 : vector<16xf32>
    }
    %scan3A_39 = arith.constant 16 : i32
    %swap3A = arith.constant 0 : index
    %swap3A_40 = tpu.vector_load %arg18[%swap3A] {strides = array<i32>} : memref<16xf32, #tpu.memory_space<vmem>>, vector<16xf32>,
    tpu.vector_store %arg18[%swap3A], %scan3A_38 {strides = array<i32>} : memref<16xf32, #tpu.memory_space<vmem>>, vector<16xf32>,
    "tpu.region"() ({
      %run_scoped3A = tpu.sem_alloc : memref<!tpu.dma_semaphore, #tpu.memory_space<semaphore_mem>>
      %dma_start3A_41 = arith.constant 0 : i32
      %dma_start3A_42 = tpu.memref_slice %arg5[%add3A, %dma_start3A_41] : memref<32x16xf32, #tpu.memory_space<hbm>> -> memref<1x16xf32, #tpu.memory_space<hbm>>
      %dma_start3A_43 = tpu.memref_squeeze %dma_start3A_42 : memref<1x16xf32, #tpu.memory_space<hbm>> -> memref<16xf32, #tpu.memory_space<hbm>>
      %dma_start3A_44 = arith.constant 0 : i32
      %dma_start3A_45 = tpu.memref_slice %arg5[%add3A, %dma_start3A_44] : memref<32x16xf32, #tpu.memory_space<hbm>> -> memref<1x16xf32, #tpu.memory_space<hbm>>
      %dma_start3A_46 = tpu.memref_squeeze %dma_start3A_45 : memref<1x16xf32, #tpu.memory_space<hbm>> -> memref<16xf32, #tpu.memory_space<hbm>>
      tpu.enqueue_dma source(%arg18 : memref<16xf32, #tpu.memory_space<vmem>>) target(%dma_start3A_46 : memref<16xf32, #tpu.memory_space<hbm>>) target_semaphore(%run_scoped3A : memref<!tpu.dma_semaphore, #tpu.memory_space<semaphore_mem>>)
      %dma_wait3A = arith.constant 0 : i32
      %dma_wait3A_47 = tpu.memref_slice %arg5[%add3A, %dma_wait3A] : memref<32x16xf32, #tpu.memory_space<hbm>> -> memref<1x16xf32, #tpu.memory_space<hbm>>
      %dma_wait3A_48 = tpu.memref_squeeze %dma_wait3A_47 : memref<1x16xf32, #tpu.memory_space<hbm>> -> memref<16xf32, #tpu.memory_space<hbm>>
      %dma_wait3A_49 = arith.constant 0 : i32
      %dma_wait3A_50 = tpu.memref_slice %arg5[%add3A, %dma_wait3A_49] : memref<32x16xf32, #tpu.memory_space<hbm>> -> memref<1x16xf32, #tpu.memory_space<hbm>>
      %dma_wait3A_51 = tpu.memref_squeeze %dma_wait3A_50 : memref<1x16xf32, #tpu.memory_space<hbm>> -> memref<16xf32, #tpu.memory_space<hbm>>
      tpu.wait_dma2 semaphore(%run_scoped3A : memref<!tpu.dma_semaphore, #tpu.memory_space<semaphore_mem>>) src(%arg18 : memref<16xf32, #tpu.memory_space<vmem>>) dst(%dma_wait3A_51 : memref<16xf32, #tpu.memory_space<hbm>>)
      tpu.yield
    }) : () -> ()
    return
  }
}

module attributes {stable_mosaic.version = 14 : i64} {
  func.func @_tc_body(%arg0: i32, %arg1: memref<32x64x128xf32, #tpu.memory_space<vmem>>, %arg2: memref<32x64x128xf32, #tpu.memory_space<vmem>>, %arg3: memref<32x64x128xi32, #tpu.memory_space<vmem>>, %arg4: memref<1x128xf32, #tpu.memory_space<vmem>>, %arg5: memref<1x128xf32, #tpu.memory_space<vmem>>) attributes {dimension_semantics = [#tpu.dimension_semantics<arbitrary>], iteration_bounds = array<i64: 64>, scalar_prefetch = 0 : i64, scratch_operands = 1 : i64, tpu.core_type = #tpu.core_type<tc>, window_params = [{transform_indices = @transform_0, window_bounds = array<i64: 32, 64, 128>}, {transform_indices = @transform_1, window_bounds = array<i64: 32, 64, 128>}, {transform_indices = @transform_2, window_bounds = array<i64: 32, 64, 128>}, {pipeline_mode = #tpu.pipeline_mode<synchronous>, transform_indices = @transform_3, window_bounds = array<i64: 1, 128>}]} {
    %eq3A = arith.constant 0 : i32
    %eq3A_0 = arith.cmpi eq, %arg0, %eq3A : i32
    %convert_element_type3A = arith.extui %eq3A_0 : i1 to i32
    %cond3A = arith.constant 0 : i32
    %cond3A_1 = arith.cmpi ne, %convert_element_type3A, %cond3A : i32
    scf.if %cond3A_1 {
      %broadcast_in_dim3A_46 = arith.constant 0.000000e+00 : f32
      %broadcast_in_dim3A_47 = vector.broadcast %broadcast_in_dim3A_46 : f32 to vector<1x128xf32>
      %swap3A_48 = arith.constant 0 : index
      %swap3A_49 = arith.constant 0 : index
      %swap3A_50 = vector.load %arg5[%swap3A_48, %swap3A_49] : memref<1x128xf32, #tpu.memory_space<vmem>>, vector<1x128xf32>
      tpu.vector_store %arg5[%swap3A_48, %swap3A_49], %broadcast_in_dim3A_47 {strides = array<i32>} : memref<1x128xf32, #tpu.memory_space<vmem>>, vector<1x128xf32>,
    } else {
    }
    %get3A = arith.constant 0 : index
    %get3A_2 = arith.constant 0 : index
    %get3A_3 = arith.constant 0 : index
    %get3A_4 = vector.load %arg1[%get3A, %get3A_2, %get3A_3] : memref<32x64x128xf32, #tpu.memory_space<vmem>>, vector<32x64x128xf32>
    %reshape3A = vector.shape_cast %get3A_4 : vector<32x64x128xf32> to vector<2048x128xf32>
    %get3A_5 = arith.constant 0 : index
    %get3A_6 = arith.constant 0 : index
    %get3A_7 = arith.constant 0 : index
    %get3A_8 = vector.load %arg2[%get3A_5, %get3A_6, %get3A_7] : memref<32x64x128xf32, #tpu.memory_space<vmem>>, vector<32x64x128xf32>
    %reshape3A_9 = vector.shape_cast %get3A_8 : vector<32x64x128xf32> to vector<2048x128xf32>
    %get3A_10 = arith.constant 0 : index
    %get3A_11 = arith.constant 0 : index
    %get3A_12 = arith.constant 0 : index
    %get3A_13 = vector.load %arg3[%get3A_10, %get3A_11, %get3A_12] : memref<32x64x128xi32, #tpu.memory_space<vmem>>, vector<32x64x128xi32>
    %reshape3A_14 = vector.shape_cast %get3A_13 : vector<32x64x128xi32> to vector<2048x128xi32>
    %sub3A = arith.subf %reshape3A, %reshape3A_9 : vector<2048x128xf32>
    %abs3A = math.absf %sub3A : vector<2048x128xf32>
    %mul3A = arith.mulf %sub3A, %abs3A : vector<2048x128xf32>
    %sign3A = tpu.bitcast %sub3A : vector<2048x128xf32> -> vector<2048x128xi32>
    %sign3A_15 = arith.constant -2147483648 : i32
    %sign3A_16 = vector.broadcast %sign3A_15 : i32 to vector<2048x128xi32>
    %sign3A_17 = arith.andi %sign3A, %sign3A_16 : vector<2048x128xi32>
    %sign3A_18 = arith.constant 1065353216 : i32
    %sign3A_19 = vector.broadcast %sign3A_18 : i32 to vector<2048x128xi32>
    %sign3A_20 = arith.ori %sign3A_19, %sign3A_17 : vector<2048x128xi32>
    %sign3A_21 = tpu.bitcast %sign3A_20 : vector<2048x128xi32> -> vector<2048x128xf32>
    %sign3A_22 = math.absf %sub3A : vector<2048x128xf32>
    %sign3A_23 = arith.constant 0.000000e+00 : f32
    %sign3A_24 = vector.broadcast %sign3A_23 : f32 to vector<2048x128xf32>
    %sign3A_25 = arith.cmpf ogt, %sign3A_22, %sign3A_24 : vector<2048x128xf32>
    %sign3A_26 = arith.select %sign3A_25, %sign3A_21, %sub3A : vector<2048x128xi1>, vector<2048x128xf32>
    %lt3A = arith.constant 0 : i32
    %lt3A_27 = vector.broadcast %lt3A : i32 to vector<2048x128xi32>
    %lt3A_28 = arith.cmpi slt, %reshape3A_14, %lt3A_27 : vector<2048x128xi32>
    %add3A = arith.constant 128 : i32
    %add3A_29 = vector.broadcast %add3A : i32 to vector<2048x128xi32>
    %add3A_30 = arith.addi %reshape3A_14, %add3A_29 : vector<2048x128xi32>
    %select_n3A = arith.select %lt3A_28, %add3A_30, %reshape3A_14 : vector<2048x128xi1>, vector<2048x128xi32>
    %reshape3A_31 = vector.shape_cast %select_n3A : vector<2048x128xi32> to vector<2048x128x1xi32>
    %gather3A = vector.shape_cast %reshape3A_31 : vector<2048x128x1xi32> to vector<2048x128xi32>
    %gather3A_32 = tpu.dynamic_gather %sign3A_26[%gather3A] in [1] : vector<2048x128xf32>, vector<2048x128xi32> -> vector<2048x128xf32>
    %get3A_33 = arith.constant 0 : index
    %get3A_34 = arith.constant 0 : index
    %get3A_35 = vector.load %arg5[%get3A_33, %get3A_34] : memref<1x128xf32, #tpu.memory_space<vmem>>, vector<1x128xf32>
    %mul3A_36 = arith.mulf %mul3A, %gather3A_32 : vector<2048x128xf32>
    %reduce_sum3A = arith.constant dense<0.000000e+00> : vector<128xf32>
    %reduce_sum3A_37 = vector.multi_reduction <add>, %mul3A_36, %reduce_sum3A [0] : vector<2048x128xf32> to vector<128xf32>
    %broadcast_in_dim3A = vector.shape_cast %reduce_sum3A_37 : vector<128xf32> to vector<1x128xf32>
    %add3A_38 = arith.addf %get3A_35, %broadcast_in_dim3A : vector<1x128xf32>
    %swap3A = arith.constant 0 : index
    %swap3A_39 = arith.constant 0 : index
    %swap3A_40 = vector.load %arg5[%swap3A, %swap3A_39] : memref<1x128xf32, #tpu.memory_space<vmem>>, vector<1x128xf32>
    tpu.vector_store %arg5[%swap3A, %swap3A_39], %add3A_38 {strides = array<i32>} : memref<1x128xf32, #tpu.memory_space<vmem>>, vector<1x128xf32>,
    %eq3A_41 = arith.constant 63 : i32
    %eq3A_42 = arith.cmpi eq, %arg0, %eq3A_41 : i32
    %convert_element_type3A_43 = arith.extui %eq3A_42 : i1 to i32
    %cond3A_44 = arith.constant 0 : i32
    %cond3A_45 = arith.cmpi ne, %convert_element_type3A_43, %cond3A_44 : i32
    scf.if %cond3A_45 {
      %get3A_46 = arith.constant 0 : index
      %get3A_47 = arith.constant 0 : index
      %get3A_48 = vector.load %arg5[%get3A_46, %get3A_47] : memref<1x128xf32, #tpu.memory_space<vmem>>, vector<1x128xf32>
      %swap3A_49 = arith.constant 0 : index
      %swap3A_50 = arith.constant 0 : index
      %swap3A_51 = vector.load %arg4[%swap3A_49, %swap3A_50] : memref<1x128xf32, #tpu.memory_space<vmem>>, vector<1x128xf32>
      tpu.vector_store %arg4[%swap3A_49, %swap3A_50], %get3A_48 {strides = array<i32>} : memref<1x128xf32, #tpu.memory_space<vmem>>, vector<1x128xf32>,
    } else {
    }
    return
  }
  func.func @transform_0(%arg0: i32) -> (i32, i32, i32) {
    %add3A = arith.constant 64 : i32
    %add3A_0 = arith.addi %add3A, %arg0 : i32
    %c0_i32 = arith.constant 0 : i32
    %c0_i32_1 = arith.constant 0 : i32
    %c0_i32_2 = arith.constant 0 : i32
    return %add3A_0, %c0_i32, %c0_i32_1 : i32, i32, i32
  }
  func.func @transform_1(%arg0: i32) -> (i32, i32, i32) {
    %add3A = arith.constant 64 : i32
    %add3A_0 = arith.addi %add3A, %arg0 : i32
    %c0_i32 = arith.constant 0 : i32
    %c0_i32_1 = arith.constant 0 : i32
    %c0_i32_2 = arith.constant 0 : i32
    return %add3A_0, %c0_i32, %c0_i32_1 : i32, i32, i32
  }
  func.func @transform_2(%arg0: i32) -> (i32, i32, i32) {
    %add3A = arith.constant 64 : i32
    %add3A_0 = arith.addi %add3A, %arg0 : i32
    %c0_i32 = arith.constant 0 : i32
    %c0_i32_1 = arith.constant 0 : i32
    %c0_i32_2 = arith.constant 0 : i32
    return %add3A_0, %c0_i32, %c0_i32_1 : i32, i32, i32
  }
  func.func @transform_3(%arg0: i32) -> (i32, i32) {
    %c0_i32 = arith.constant 0 : i32
    %c0_i32_0 = arith.constant 0 : i32
    %c0_i32_1 = arith.constant 0 : i32
    return %c0_i32, %c0_i32_0 : i32, i32
  }
}

</mosaic_0001>

<sc_bundles>
// kernel: kernel.4.cloned.1.call-start
scs
__scs_entry_jumppad:
0x0: {  	(pc) =	sbr.rel $0x88, $3  }
0x1: {  	(tag) =	ssettag $0x0;
	lr =	simm.s32 $0x1  }
0x2: {  	[smem:$0x3F9E] =	sst lr;
	_ =	strace $0xD0000000  }
0x3: {  	_ = 	snop  }
0x4: {  	_ = 	snop  }
0x5: {  	_ = 	snop  }
0x6: {  	_ = 	snop  }
0x7: {  	_ = 	snop  }
__scs_overlays_trampoline_lowered:
0x8: {  	[smem:$0x3FAD] =	sst s0  }
0x9: {  	[smem:$0x3FAE] =	sst s1  }
0xa: {  	[smem:$0x3FAF] =	sst s2  }
0xb: {  	[smem:$0x3FB0] =	sst s3  }
0xc: {  	[smem:$0x3FB1] =	sst s4  }
0xd: {  	[smem:$0x3FB2] =	sst s5  }
0xe: {  	[smem:$0x3FB3] =	sst s6  }
0xf: {  	[smem:$0x3FB4] =	sst s7  }
0x10: {  	[smem:$0x3FB5] =	sst s8  }
0x11: {  	[smem:$0x3FB6] =	sst s9;
	s0 =	simm.s32 @!p0 $0x0  }
0x12: {  	s1 =	sld [smem:$0x3F9C];
	s0 =	simm.s32 @p0 $0x1  }
0x13: {  	[smem:$0x3FB7] =	sst s0;
	s0 =	simm.s32 @!p1 $0x0  }
0x14: {  	s2 =	sld [smem:$0x3F9B];
	s0 =	simm.s32 @p1 $0x1  }
0x15: {  	[smem:$0x3FB8] =	sst s0;
	s0 =	simm.s32 @!p2 $0x0  }
0x16: {  	s3 =	sld [smem:$0x3FDB];
	s0 =	simm.s32 @p2 $0x1  }
0x17: {  	s4 =	simm.s32 $0x1BF5;
	[smem:$0x3FBA] =	sst s0  }
0x18: {  	s0 =	sld [smem:$0x3F9D];
	_ =	swait.ge [sflag:s4], $0x0  }
0x19: {  	s7 =	sld [smem:$0x3F9E]  }
0x1a: {  	s8 =	sadd.s32 $0xFFFFE003, lr  }
0x1b: {  	s9 =	sadd.s32 $0xFFFFFEF7, lr;
	s5 =	simm.s32 $0xFFFFFFFF;
	p2 =	slt.u32 s8, $0xFFFFF086  }
0x1c: {  	p1 =	slt.u32 s9, $0xF7A;
	s5 =	simm.s32 @!p2 $0x0  }
0x1d: {  	s5 =	simm.s32 @p1 $0x1;
	p0 =	seq.s32 s7, s2  }
0x1e: {  	s7 =	smul.u32 @!p0 $0xF7A, s2;
	p2 =	seq.s32 @!p0 s5, $0x0  }
0x1f: {  	s9 =	smul.u32 $0xF7A, s1;
	s8 =	simm.s32 @!p0 $0x1BF5;
	p2 =	por !p2, p0  }
0x20: {  	[sflag:s8] =	ssyncset.s32 @!p0 $0xFFFFF086;
	s6 =	sadd.s32 @!p0 s3, s7;
	s7 =	simm.s32 @!p0 $0x108  }
0x21: {  	s3 =	sadd.s32 s3, s9;
	s6 =	sadd.s32 @!p0 $0x88, s6;
	s7 =	simm.s32 @p2 $0x1082  }
0x22: {  	[simem:s7], [sflag:s8] =	dma.local @!p0 [hbm:s6], $0xF7A  }
0x23: {  	s9 =	sor.u32 $0xD0000000, s2;
	s6 =	simm.s32 $0x108;
	_ =	swait.ge @!p0 [sflag:s8], $0x0  }
0x24: {  	s3 =	sadd.s32 $0x88, s3;
	s6 =	simm.s32 @!p1 $0x1082;
	[sflag:s4] =	ssyncset.s32 $0xFFFFF086  }
0x25: {  	[simem:s6], [sflag:s4] =	dma.local [hbm:s3], $0xF7A  }
0x26: {  	[smem:$0x3F9E] =	sst s1;
	(tag) =	ssettag s2;
	_ =	strace s9  }
0x27: {  	s1 =	sld [smem:$0x3FAE]  }
0x28: {  	s2 =	sld [smem:$0x3FAF]  }
0x29: {  	s4 =	sld [smem:$0x3FB1]  }
0x2a: {  	p0 =	seq.s32 s5, $0x0;
	s5 =	sld [smem:$0x3FB2]  }
0x2b: {  	s6 =	sld [smem:$0x3FB3]  }
0x2c: {  	s7 =	sld [smem:$0x3FB4]  }
0x2d: {  	s3 =	simm.s32 $0x108;
	s8 =	sld [smem:$0x3FB5]  }
0x2e: {  	s3 =	simm.s32 @!p0 $0x1082;
	s9 =	sld [smem:$0x3FB6]  }
0x2f: {  	lr =	sadd.s32 s0, s3;
	s0 =	sld [smem:$0x3FAD]  }
0x30: {  	s3 =	sld [smem:$0x3FB0]  }
0x31: {  	[smem:$0x3FB9] =	sst s10  }
0x32: {  	s10 =	sld [smem:$0x3FB7];
	_ =	sdelay $0x3  }
0x33: {  	p0 =	seq.s32 s10, $0x1;
	s10 =	sld [smem:$0x3FB9];
	_ =	sdelay $0x3  }
0x34: {  	[smem:$0x3FB9] =	sst s10  }
0x35: {  	s10 =	sld [smem:$0x3FB8];
	_ =	sdelay $0x3  }
0x36: {  	p1 =	seq.s32 s10, $0x1;
	s10 =	sld [smem:$0x3FB9];
	_ =	sdelay $0x3  }
0x37: {  	[smem:$0x3FB9] =	sst s10  }
0x38: {  	s10 =	sld [smem:$0x3FBA]  }
0x39: {  	_ = 	snop;
	(pc) =	sbr.ind lr, $3  }
0x3a: {  	_ = 	snop  }
0x3b: {  	_ = 	snop  }
0x3c: {  	p2 =	seq.s32 s10, $0x1;
	s10 =	sld [smem:$0x3FB9]  }
0x3d: {  	_ =	shalt  }
0x3e: {  	_ =	shalt  }
0x3f: {  	_ =	shalt  }
0x40: {  	_ =	shalt  }
0x41: {  	_ =	shalt  }
0x42: {  	_ =	shalt  }
0x43: {  	_ =	shalt  }
0x44: {  	_ =	shalt  }
0x45: {  	_ =	shalt  }
0x46: {  	_ =	shalt  }
0x47: {  	_ =	shalt  }
0x48: {  	_ =	shalt  }
0x49: {  	_ =	shalt  }
0x4a: {  	_ =	shalt  }
0x4b: {  	_ =	shalt  }
0x4c: {  	_ =	shalt  }
0x4d: {  	_ =	shalt  }
0x4e: {  	_ =	shalt  }
0x4f: {  	_ =	shalt  }
0x50: {  	_ =	shalt  }
0x51: {  	_ =	shalt  }
0x52: {  	_ =	shalt  }
0x53: {  	_ =	shalt  }
0x54: {  	_ =	shalt  }
0x55: {  	_ =	shalt  }
0x56: {  	_ =	shalt  }
0x57: {  	_ =	shalt  }
0x58: {  	_ =	shalt  }
0x59: {  	_ =	shalt  }
0x5a: {  	_ =	shalt  }
0x5b: {  	_ =	shalt  }
0x5c: {  	_ =	shalt  }
0x5d: {  	_ =	shalt  }
0x5e: {  	_ =	shalt  }
0x5f: {  	_ =	shalt  }
0x60: {  	_ =	shalt  }
0x61: {  	_ =	shalt  }
0x62: {  	_ =	shalt  }
0x63: {  	_ =	shalt  }
0x64: {  	_ =	shalt  }
0x65: {  	_ =	shalt  }
0x66: {  	_ =	shalt  }
0x67: {  	_ =	shalt  }
0x68: {  	_ =	shalt  }
0x69: {  	_ =	shalt  }
0x6a: {  	_ =	shalt  }
0x6b: {  	_ =	shalt  }
0x6c: {  	_ =	shalt  }
0x6d: {  	_ =	shalt  }
0x6e: {  	_ =	shalt  }
0x6f: {  	_ =	shalt  }
0x70: {  	_ =	shalt  }
0x71: {  	_ =	shalt  }
0x72: {  	_ =	shalt  }
0x73: {  	_ =	shalt  }
0x74: {  	_ =	shalt  }
0x75: {  	_ =	shalt  }
0x76: {  	_ =	shalt  }
0x77: {  	_ =	shalt  }
0x78: {  	_ =	shalt  }
0x79: {  	_ =	shalt  }
0x7a: {  	_ =	shalt  }
0x7b: {  	_ =	shalt  }
0x7c: {  	_ =	shalt  }
0x7d: {  	_ =	shalt  }
0x7e: {  	_ =	shalt  }
0x7f: {  	_ =	shalt  }
0x80: {  	_ =	shalt  }
0x81: {  	_ =	shalt  }
0x82: {  	_ =	shalt  }
0x83: {  	_ =	shalt  }
0x84: {  	_ =	shalt  }
0x85: {  	_ =	shalt  }
0x86: {  	_ =	shalt  }
0x87: {  	_ =	shalt  }
.Lfunc_end0:
.L_simem_size_0:
called_computation_lowered:
.L_overlay_start_0:
0x88: {  	s2 =	sld [smem:$0x3FD9]  }
0x89: {  	s3 =	sld [smem:$0x3FFE];
	_ =	sdelay $0x1  }
0x8a: {  	s1 =	srdreg.scid  }
0x8b: {  	s0 =	sand.u32 $0x1, s1  }
0x8c: {  	s17 =	sshll.u32 s0, $0xA;
	s2 =	sadd.s32 s3, s2  }
0x8d: {  	s2 =	sadd.s32 s2, s17  }
0x8e: {  	[smem:$0x3FC5] =	sst s2  }
0x8f: {  	_ = 	snop  }
0x90: {  	s2 =	sld [smem:$0x3FC9]  }
0x91: {  	s18 =	sld [smem:$0x3FC8]  }
0x92: {  	s4 =	sld [smem:$0x3FC7];
	(tm) =	ssettm $0x1  }
0x93: {  	s5 =	sld [smem:$0x3FFB];
	_ =	sdelay $0x3  }
0x94: {  	_ =	strace s5  }
0x95: {  	s5 =	sld [smem:$0x3FFC];
	_ =	sdelay $0x3  }
0x96: {  	_ =	strace s5  }
0x97: {  	s5 =	sld [smem:$0x3FFD];
	_ =	sdelay $0x3  }
0x98: {  	_ =	strace s5  }
0x99: {  	_ =	strace $0x8FFFFFFF  }
0x9a: {  	s19 =	sld [smem:$0x3FDB];
	_ =	sdelay $0x1  }
0x9b: {  	s6 =	simm.s32 $_scs_section_size  }
0x9c: {  	s7 =	simm.s32 $_size__tile_overlayer_lowered;
	s8 =	simm.s32 $_tile_overlayer_lowered  }
0x9d: {  	s22 =	simm.s32 $0x1BFF;
	s21 =	sshll.u32 s8, $0x1;
	s5 =	sadd.s32 s6, s19  }
0x9e: {  	s9 =	simm.s32 $0x0;
	s20 =	sshll.u32 s7, $0x1;
	s7 =	sadd.s32 s21, s5  }
0x9f: {  	[timem:s9], [sflag:s22] =	dma.local [hbm:s7], s20  }
0xa0: {  	_ =	swait.ge [sflag:s22], s20  }
0xa1: {  	s6 =	ssub.s32 $0x0, s20;
	[sflag:s22] =	ssyncset.done $0x0  }
0xa2: {  	[sflag:s22] =	ssyncadd.s32 s6;
	_ =	sdelay $0x1  }
0xa3: {  	s23 =	simm.s32 $0x1B8B  }
0xa4: {  	_ =	swait.ge [sflag:s23], $0x1  }
0xa5: {  	[sflag:s23] =	ssyncset.done $0x0  }
0xa6: {  	s25 =	simm.s32 $0x1B8E;
	s24 =	sld [smem:$0x3FFE];
	[sflag:s23] =	ssyncadd.s32 $0xFFFFFFFF  }
0xa7: {  	s26 =	simm.s32 $execute0_lowered;
	[smem:$0x3FD2] =	sst s25  }
0xa8: {  	s7 =	sshll.u32 s26, $0x1;
	_ =	strace $0x80000046;
	[dreg:$0x1] =	wrdreg $0xFFFFFFFF  }
0xa9: {  	s28 =	simm.s32 $_size_execute0_lowered;
	s5 =	sadd.s32 s5, s7;
	[dreg:$0x0] =	wrdreg $0x0  }
0xaa: {  	s7 =	sshll.u32 s28, $0x1;
	[dreg:$0x2] =	wrdreg s5  }
0xab: {  	[dreg:$0x3] =	wrdreg s7  }
0xac: {  	[dreg:$0x4] =	wrdreg $0xC0  }
0xad: {  	_ =	task [dreg:s9], $0x5FFFF  }
0xae: {  	[dreg:$0x1] =	wrdreg $0xFFFFFFFF  }
0xaf: {  	[dreg:$0x0] =	wrdreg $0x60  }
0xb0: {  	[dreg:$0x2] =	wrdreg s2  }
0xb1: {  	[dreg:$0x3] =	wrdreg s18  }
0xb2: {  	[dreg:$0x4] =	wrdreg s4  }
0xb3: {  	[dreg:$0x5] =	wrdreg s24  }
0xb4: {  	[dreg:$0x6] =	wrdreg $0x9  }
0xb5: {  	_ =	task.clear_ibuf [dreg:s9], $0x7FFFF;
	_ =	strace $0x90000046  }
0xb6: {  	s29 =	simm.s32 $0x9;
	_ =	strace $0x80000048  }
0xb7: {  	_ =	swait.ge [sflag:s29], $0x1  }
0xb8: {  	[sflag:s29] =	ssyncadd.s32 $0xFFFFFFFF  }
0xb9: {  	_ =	strace $0x90000048  }
0xba: {  	_ =	sfence  }
0xbb: {  	s30 =	sld [smem:$0x0];
	_ =	sdelay $0x2  }
0xbc: {  	s31 =	sshll.u32 s1, $0xD;
	s1 =	sshrl.u32 s1, $0x2  }
0xbd: {  	s3 =	sand.u32 $0x4000, s31;
	s1 =	sadd.s32 s1, s30  }
0xbe: {  	s0 =	sor.u32 s3, s0;
	s1 =	sshll.u32 s1, $0x11  }
0xbf: {  	s0 =	sor.u32 s1, s0  }
0xc0: {  	s0 =	sadd.s32 $0x8F2B, s0  }
0xc1: {  	[sflag:s0] =	ssyncadd.remote.s32 $0x1  }
0xc2: {  	_ =	sfence.sel $0xFFFF  }
0xc3: {  	[dreg:$0x0] =	wrdreg $0xFFFFFFFF;
	(pc) =	sbr.abs _section_cstart, $3  }
0xc4: {  	[dreg:$0x1] =	wrdreg $0xFFFFFFFF  }
0xc5: {  	_ =	task.clear_ibuf [dreg:s9], $0x2FFFF;
	_ =	strace $0x9FFFFFFF  }
0xc6: {  	(tm) =	ssettm $0x7FFFFFFF  }
0xc7: {  	_ =	shalt  }
tec
execute0_lowered:
.L_overlay_start_1:
0x0: {  	(tag) =	ssettag $0x1  }
0x1: {  	s1 =	rddreg [dreg:$0x0]  }
0x2: {  	s2 =	rddreg [dreg:$0x1]  }
0x3: {  	s4 =	rddreg [dreg:$0x2]  }
0x4: {  	s0 =	rddreg [dreg:$0x3]  }
0x5: {  	s3 =	srdreg.scid;
	s6 =	stileid.u32  }
0x6: {  	s5 =	simm.s32 $0x0;
	s3 =	sand.u32 $0x1, s3;
	s6 =	sshll.u32 s6, $0x1  }
0x7: {  	s28 =	simm.s32 $0x8000;
	s7 =	ssub.s32 $0x2, s3;
	s3 =	sor.u32 s3, s6  }
0x8: {  	s30 =	simm.s32 $0xC000;
	s31 =	simm.s32 $0xE000;
	s8 =	sshll.u32 s3, $0x10  }
0x9: {  	s29 =	simm.s32 $0x16000;
	[smem:$0x7FF] =	sst s5;
	s9 =	sadd.s32 s1, s8  }
0xa: {  	_ =	strace $0x80000047;
	s17 =	sadd.s32 s2, s8;
	[dreg:$0x5] =	wrdreg s9  }
0xb: {  	s18 =	sadd.s32 s4, s8;
	s19 =	sor.u32 $0x400, s8;
	[dreg:$0x6] =	wrdreg s17  }
0xc: {  	s15 =	sshrl.u32 s7, $0x1;
	[dreg:$0x7] =	wrdreg s18;
	s10 =	sadd.s32 s1, s19  }
0xd: {  	s16 =	sshll.u32 s3, $0x13;
	s20 =	sadd.s32 s2, s19;
	[dreg:$0x8] =	wrdreg s10  }
0xe: {  	s21 =	sor.u32 $0x800, s8;
	s9 =	sadd.s32 s4, s19;
	[dreg:$0x9] =	wrdreg s20  }
0xf: {  	s3 =	sshll.u32 s3, $0x4;
	s22 =	sadd.s32 s1, s21;
	[dreg:$0xa] =	wrdreg s9  }
0x10: {  	s6 =	ssub.s32 s7, s15;
	s23 =	sadd.s32 s2, s21;
	[dreg:$0xb] =	wrdreg s22  }
0x11: {  	s8 =	sor.u32 $0xC00, s8;
	s24 =	sadd.s32 s4, s21;
	[dreg:$0xc] =	wrdreg s23  }
0x12: {  	s7 =	simm.s32 $0x3;
	s25 =	sadd.s32 s1, s8;
	[dreg:$0xd] =	wrdreg s24  }
0x13: {  	s26 =	sadd.s32 s2, s8;
	s8 =	sadd.s32 s4, s8;
	[dreg:$0xe] =	wrdreg s25  }
0x14: {  	s18 =	sor.u32 $0x8000, s16;
	s19 =	sor.u32 $0xA000, s16;
	[dreg:$0xf] =	wrdreg s26  }
.Ltmp0:
0x15: {  	s21 =	sor.u32 $0xE000, s16;
	[dreg:$0x10] =	wrdreg s8;
	(pc) =	sbr.rel .LBB2_1-.Ltmp0, $4  }
0x16: {  	s20 =	sor.u32 $0xC000, s16;
	s22 =	sadd.s32 s0, s3;
	s23 =	smax.u32 s6, $0x1  }
0x17: {  	s24 =	simm.s32 $0x2000;
	s26 =	simm.s32 $0x6000;
	s3 =	simm.s32 $0x12000  }
0x18: {  	v0 =	vimm.f32 $1.000000000e+00;
	s25 =	simm.s32 $0x14000;
	s0 =	simm.s32 $0x1;
	s6 =	simm.s32 $0x2  }
0x19: {  	v0 =	vand.u32 $0x7FFFFFFF, v0;
	s8 =	simm.s32 $0x4;
	s9 =	simm.s32 $0x5;
	s10 =	simm.s32 $0x0  }
.LBB2_12:
0x1a: {  	s10 =	sadd.s32 $0x1, s10  }
0x1b: {  	p0 =	sne.s32 s10, s23  }
.Ltmp1:
0x1c: {  	[tilespmem:$0x18000] =	vst v4;
	s11 =	simm.s32 $0x18000;
	(pc) =	sbr.rel @!p0 .LBB2_13-.Ltmp1, $4  }
0x1d: {  	[hbm4b:s22+s5] =	stream.linear.scatter [tilespmem:s11], [sflag:$0x5], $0x80, $0x38;
	[tilespmem:$0x18080] =	vst v63  }
0x1e: {  	_ =	swait.ge [sflag:s9], $0x80  }
0x1f: {  	[sflag:s9] =	ssyncset.done $0x0  }
0x20: {  	[sflag:s9] =	ssyncadd.s32 $0xFFFFFF80  }
.LBB2_1:
0x21: {  	s11 =	rddreg [dreg:$0x5]  }
0x22: {  	[tilespmem:s5], [sflag:$0x1] =	stream.linear.gather [hbm4b:s11+s5], $0x2000, $0x38;
	[tilespmem:$0x18080] =	vst v63  }
0x23: {  	s16 =	rddreg [dreg:$0x6]  }
0x24: {  	[tilespmem:s24], [sflag:$0x1] =	stream.linear.gather [hbm4b:s16+s5], $0x2000, $0x38;
	[tilespmem:$0x18080] =	vst v63  }
0x25: {  	s17 =	rddreg [dreg:$0x7];
	s12 =	simm.s32 $0x4000  }
0x26: {  	[tilespmem:s12], [sflag:$0x1] =	stream.linear.gather [hbm4b:s17+s5], $0x2000, $0x38;
	[tilespmem:$0x18080] =	vst v63  }
0x27: {  	s13 =	rddreg [dreg:$0x8]  }
0x28: {  	[tilespmem:s26], [sflag:$0x2] =	stream.linear.gather [hbm4b:s13+s5], $0x2000, $0x38;
	[tilespmem:$0x18080] =	vst v63  }
0x29: {  	s14 =	rddreg [dreg:$0x9]  }
0x2a: {  	[tilespmem:s28], [sflag:$0x2] =	stream.linear.gather [hbm4b:s14+s5], $0x2000, $0x38;
	[tilespmem:$0x18080] =	vst v63  }
0x2b: {  	s15 =	rddreg [dreg:$0xa];
	s16 =	simm.s32 $0xA000  }
0x2c: {  	[tilespmem:s16], [sflag:$0x2] =	stream.linear.gather [hbm4b:s15+s5], $0x2000, $0x38;
	[tilespmem:$0x18080] =	vst v63  }
0x2d: {  	s17 =	rddreg [dreg:$0xb]  }
0x2e: {  	[tilespmem:s30], [sflag:$0x3] =	stream.linear.gather [hbm4b:s17+s5], $0x2000, $0x38;
	[tilespmem:$0x18080] =	vst v63  }
0x2f: {  	s12 =	rddreg [dreg:$0xc]  }
0x30: {  	[tilespmem:s31], [sflag:$0x3] =	stream.linear.gather [hbm4b:s12+s5], $0x2000, $0x38;
	[tilespmem:$0x18080] =	vst v63  }
0x31: {  	s13 =	rddreg [dreg:$0xd];
	s14 =	simm.s32 $0x10000  }
0x32: {  	[tilespmem:s14], [sflag:$0x3] =	stream.linear.gather [hbm4b:s13+s5], $0x2000, $0x38;
	[tilespmem:$0x18080] =	vst v63  }
0x33: {  	s15 =	rddreg [dreg:$0xe]  }
0x34: {  	[tilespmem:s3], [sflag:$0x4] =	stream.linear.gather [hbm4b:s15+s5], $0x2000, $0x38;
	[tilespmem:$0x18080] =	vst v63  }
0x35: {  	s16 =	rddreg [dreg:$0xf]  }
0x36: {  	[tilespmem:s25], [sflag:$0x4] =	stream.linear.gather [hbm4b:s16+s5], $0x2000, $0x38;
	[tilespmem:$0x18080] =	vst v63  }
0x37: {  	s11 =	simm.s32 $0x0;
	s17 =	rddreg [dreg:$0x10]  }
0x38: {  	v4 =	vimm.f32 $0.0e+00;
	[tilespmem:s29], [sflag:$0x4] =	stream.linear.gather [hbm4b:s17+s5], $0x2000, $0x38;
	[tilespmem:$0x18080] =	vst v63  }
.LBB2_2:
0x39: {  	_ =	swait.ge [sflag:s0], $0x2000  }
0x3a: {  	[sflag:s0] =	ssyncset.done $0x0  }
0x3b: {  	[sflag:s0] =	ssyncadd.s32 $0xFFFFE000  }
0x3c: {  	_ =	swait.ge [sflag:s0], $0x2000  }
0x3d: {  	[sflag:s0] =	ssyncset.done $0x0  }
0x3e: {  	[sflag:s0] =	ssyncadd.s32 $0xFFFFE000  }
0x3f: {  	_ =	swait.ge [sflag:s0], $0x2000  }
0x40: {  	[sflag:s0] =	ssyncset.done $0x0  }
0x41: {  	s14 =	simm.s32 $0x4040;
	[sflag:s0] =	ssyncadd.s32 $0xFFFFE000  }
0x42: {  	s12 =	simm.s32 $0x2040;
	v5 =	vld [tilespmem:s14+$0x30]  }
0x43: {  	v7 =	vld [tilespmem:s12+$0x10]  }
0x44: {  	v6 =	vld [tilespmem:s14+$0x10]  }
0x45: {  	v2 =	vld [tilespmem:s14+$0xFFFFFFD0]  }
0x46: {  	v8 =	vld [tilespmem:s14+$0x20]  }
0x47: {  	v3 =	vld [tilespmem:s14+$0xFFFFFFC0]  }
0x48: {  	v1 =	vld [tilespmem:s12+$0xFFFFFFE0]  }
0x49: {  	v9 =	vld [tilespmem:s12+$0xFFFFFFD0]  }
0x4a: {  	s15 =	simm.s32 $0x0;
	v11 =	vld [tilespmem:s14+$0x0]  }
0x4b: {  	s13 =	simm.s32 $0x40;
	v10 =	vld [tilespmem:s14+$0xFFFFFFE0];
	v13 =	vadd.s32 s15, v2  }
0x4c: {  	v12 =	vld [tilespmem:s13+$0xFFFFFFC0];
	v3 =	vadd.s32 s15, v3  }
0x4d: {  	v14 =	vld [tilespmem:s12+$0xFFFFFFC0]  }
0x4e: {  	v15 =	vld [tilespmem:s14+$0xFFFFFFF0]  }
0x4f: {  	v16 =	vld [tilespmem:s13+$0xFFFFFFD0];
	v11 =	vadd.s32 s15, v11  }
0x50: {  	v17 =	vld.idx.msk [tilespmem:v13+s5+$0x0], $0xffff  }
0x51: {  	v8 =	vadd.s32 s15, v8;
	v18 =	vld.idx.msk [tilespmem:v3+s5+$0x0], $0xffff  }
0x52: {  	v19 =	vld.idx.msk [tilespmem:v3+s24+$0x0], $0xffff  }
0x53: {  	v12 =	vsub.f32 v12, v14;
	v13 =	vld.idx.msk [tilespmem:v13+s24+$0x0], $0xffff  }
0x54: {  	v20 =	vld.idx.msk [tilespmem:v11+s24+$0x0], $0xffff  }
0x55: {  	v21 =	vand.u32 $0x7FFFFFFF, v12;
	v11 =	vld.idx.msk [tilespmem:v11+s5+$0x0], $0xffff  }
0x56: {  	v15 =	vadd.s32 s15, v15;
	v12 =	vmul.f32 v21, v12;
	v21 =	vld.idx.msk [tilespmem:v8+s5+$0x0], $0xffff  }
0x57: {  	v8 =	vld.idx.msk [tilespmem:v8+s24+$0x0], $0xffff  }
0x58: {  	v23 =	vld [tilespmem:s13+$0x0]  }
0x59: {  	v25 =	vld [tilespmem:s12+$0x0];
	v6 =	vadd.s32 s15, v6;
	v9 =	vsub.f32 v16, v9  }
0x5a: {  	v22 =	vld [tilespmem:s13+$0x20];
	v10 =	vadd.s32 s15, v10;
	v5 =	vadd.s32 s15, v5;
	v18 =	vsub.f32 v18, v19  }
0x5b: {  	v14 =	vld.idx.msk [tilespmem:v15+s5+$0x0], $0xffff;
	v13 =	vsub.f32 v17, v13;
	v17 =	vand.u32 $0x7FFFFFFF, v9;
	v11 =	vsub.f32 v11, v20  }
0x5c: {  	v19 =	vld.idx.msk [tilespmem:v15+s24+$0x0], $0xffff;
	v9 =	vmul.f32 v17, v9;
	v17 =	vsub.f32 v21, v8;
	v15 =	vand.u32 $0x80000000, v18  }
0x5d: {  	v2 =	vld [tilespmem:s12+$0x20];
	vm0 =	vlt.f32 v18, $0.0e+00;
	vm1 =	vgt.f32 v18, $0.0e+00;
	v15 =	vor.u32 v15, v0  }
0x5e: {  	v16 =	vld.idx.msk [tilespmem:v6+s5+$0x0], $0xffff;
	vm0 =	vmor vm1, vm0;
	vm1 =	vlt.f32 v13, $0.0e+00;
	vm5 =	vlt.f32 v17, $0.0e+00  }
0x5f: {  	v6 =	vld.idx.msk [tilespmem:v6+s24+$0x0], $0xffff;
	vm6 =	vgt.f32 v17, $0.0e+00;
	v24 =	vand.u32 $0x80000000, v17;
	v15 =	vsel vm0, v15, v18  }
0x60: {  	v20 =	vld.idx.msk [tilespmem:v5+s24+$0x0], $0xffff;
	vm0 =	vgt.f32 v13, $0.0e+00;
	v12 =	vmul.f32 v15, v12;
	v15 =	vand.u32 $0x80000000, v13  }
0x61: {  	v18 =	vld.idx.msk [tilespmem:v5+s5+$0x0], $0xffff;
	vm0 =	vmor vm0, vm1;
	vm1 =	vgt.f32 v11, $0.0e+00;
	v15 =	vor.u32 v15, v0  }
0x62: {  	v5 =	vsel vm0, v15, v13;
	v4 =	vadd.f32 v12, v4;
	v12 =	vsub.f32 v14, v19;
	v19 =	vld [tilespmem:s13+$0x10]  }
0x63: {  	v3 =	vld.idx.msk [tilespmem:v10+s5+$0x0], $0xffff;
	v13 =	vand.u32 $0x80000000, v11;
	vm0 =	vlt.f32 v11, $0.0e+00;
	v5 =	vmul.f32 v5, v9  }
0x64: {  	v21 =	vld [tilespmem:s13+$0xFFFFFFE0];
	vm5 =	vmor vm6, vm5;
	v15 =	vor.u32 v13, v0;
	vm3 =	vmor vm1, vm0  }
0x65: {  	v14 =	vld [tilespmem:s12+$0x30];
	vm0 =	vlt.f32 v12, $0.0e+00;
	vm2 =	vgt.f32 v12, $0.0e+00;
	v4 =	vadd.f32 v5, v4  }
0x66: {  	v5 =	vsub.f32 v16, v6;
	v16 =	vld.idx.msk [tilespmem:v10+s24+$0x0], $0xffff;
	v10 =	vand.u32 $0x80000000, v12;
	v6 =	vsub.f32 v18, v20  }
0x67: {  	v9 =	vld [tilespmem:s12+$0xFFFFFFF0];
	vm4 =	vmor vm2, vm0;
	v20 =	vsub.f32 v23, v25;
	v8 =	vsub.f32 v19, v7  }
0x68: {  	v18 =	vld [tilespmem:s13+$0xFFFFFFF0];
	v23 =	vor.u32 v10, v0;
	vm1 =	vgt.f32 v5, $0.0e+00;
	v13 =	vand.u32 $0x80000000, v5  }
0x69: {  	s14 =	simm.s32 $0x80;
	s15 =	simm.s32 $0x40C0;
	vm0 =	vlt.f32 v6, $0.0e+00;
	v19 =	vld [tilespmem:s13+$0x30];
	vm2 =	vgt.f32 v6, $0.0e+00;
	v10 =	vand.u32 $0x7FFFFFFF, v8  }
.LBB2_3:
0x6a: {  	v25 =	vld [tilespmem:s15+$0x30];
	p0 =	sne.s32 s14, $0x1F80;
	v11 =	vsel vm3, v15, v11;
	v2 =	vsub.f32 v22, v2;
	v15 =	vor.u32 v24, v0;
	s12 =	sadd.s32 $0x80, s12;
	s13 =	sadd.s32 $0x80, s13  }
0x6b: {  	v3 =	vsub.f32 v3, v16;
	v16 =	vand.u32 $0x7FFFFFFF, v20;
	s16 =	smov.u32 s14;
	s14 =	sadd.s32 $0x80, s14;
	v7 =	vld [tilespmem:s12+$0x10];
	v15 =	vsel vm5, v15, v17  }
0x6c: {  	v13 =	vor.u32 v13, v0;
	vm3 =	vlt.f32 v5, $0.0e+00;
	v17 =	vld [tilespmem:s15+$0x10];
	v22 =	vand.u32 $0x7FFFFFFF, v2  }
0x6d: {  	v12 =	vsel vm4, v23, v12;
	v24 =	vld [tilespmem:s15+$0xFFFFFFD0];
	v21 =	vsub.f32 v21, v1;
	v1 =	vmul.f32 v16, v20  }
0x6e: {  	vm1 =	vmor vm1, vm3;
	v9 =	vsub.f32 v18, v9;
	v16 =	vld [tilespmem:s15+$0x20];
	v14 =	vsub.f32 v19, v14  }
0x6f: {  	vm3 =	vlt.f32 v3, $0.0e+00;
	v19 =	vand.u32 $0x80000000, v3;
	v18 =	vld [tilespmem:s15+$0xFFFFFFC0];
	v11 =	vmul.f32 v11, v1  }
0x70: {  	v23 =	vand.u32 $0x80000000, v6;
	vm4 =	vgt.f32 v3, $0.0e+00;
	v20 =	vand.u32 $0x7FFFFFFF, v9;
	v1 =	vld [tilespmem:s12+$0xFFFFFFE0]  }
0x71: {  	vm0 =	vmor vm2, vm0;
	v23 =	vor.u32 v23, v0;
	v27 =	vand.u32 $0x7FFFFFFF, v21;
	v26 =	vld [tilespmem:s12+$0xFFFFFFD0]  }
0x72: {  	v6 =	vsel vm0, v23, v6;
	v9 =	vmul.f32 v20, v9;
	v21 =	vmul.f32 v27, v21;
	v28 =	vld [tilespmem:s15+$0xFFFFFFE0]  }
0x73: {  	v5 =	vsel vm1, v13, v5;
	vm0 =	vmor vm4, vm3;
	v19 =	vor.u32 v19, v0;
	v20 =	vld [tilespmem:s15+$0x0]  }
0x74: {  	v3 =	vsel vm0, v19, v3;
	v9 =	vmul.f32 v12, v9;
	v23 =	vadd.s32 s16, v24;
	v13 =	vld [tilespmem:s13+$0xFFFFFFC0]  }
0x75: {  	v2 =	vmul.f32 v22, v2;
	v3 =	vmul.f32 v3, v21;
	v18 =	vadd.s32 s16, v18;
	v12 =	vld [tilespmem:s12+$0xFFFFFFC0]  }
0x76: {  	v8 =	vmul.f32 v10, v8;
	v10 =	vand.u32 $0x7FFFFFFF, v14;
	v19 =	vld [tilespmem:s15+$0xFFFFFFF0]  }
0x77: {  	v3 =	vadd.f32 v3, v4;
	v4 =	vmul.f32 v15, v2;
	v21 =	vld [tilespmem:s13+$0xFFFFFFD0];
	v22 =	vadd.s32 s16, v28  }
0x78: {  	v5 =	vmul.f32 v5, v8;
	v8 =	vmul.f32 v10, v14;
	v2 =	vld [tilespmem:s12+$0x20]  }
0x79: {  	v3 =	vadd.f32 v9, v3;
	v14 =	vadd.s32 s16, v20;
	v10 =	vld.idx.msk [tilespmem:v23+s5+$0x0], $0xffff  }
0x7a: {  	v6 =	vmul.f32 v6, v8;
	v9 =	vsub.f32 v13, v12;
	v12 =	vld.idx.msk [tilespmem:v18+s5+$0x0], $0xffff  }
0x7b: {  	v11 =	vadd.f32 v11, v3;
	v8 =	vld.idx.msk [tilespmem:v18+s24+$0x0], $0xffff;
	v13 =	vadd.s32 s16, v19  }
0x7c: {  	v3 =	vand.u32 $0x7FFFFFFF, v9;
	v15 =	vld.idx.msk [tilespmem:v23+s24+$0x0], $0xffff  }
0x7d: {  	v17 =	vadd.s32 s16, v17;
	v5 =	vadd.f32 v5, v11;
	v9 =	vmul.f32 v3, v9;
	v3 =	vld.idx.msk [tilespmem:v22+s5+$0x0], $0xffff  }
0x7e: {  	v11 =	vld.idx.msk [tilespmem:v14+s24+$0x0], $0xffff  }
0x7f: {  	v16 =	vadd.s32 s16, v16;
	v4 =	vadd.f32 v4, v5;
	v14 =	vld.idx.msk [tilespmem:v14+s5+$0x0], $0xffff  }
0x80: {  	v5 =	vsub.f32 v21, v26;
	v18 =	vld.idx.msk [tilespmem:v13+s5+$0x0], $0xffff  }
0x81: {  	v4 =	vadd.f32 v6, v4;
	v8 =	vsub.f32 v12, v8;
	v12 =	vld.idx.msk [tilespmem:v13+s24+$0x0], $0xffff;
	v13 =	vadd.s32 s16, v25  }
0x82: {  	v6 =	vand.u32 $0x7FFFFFFF, v5;
	v10 =	vsub.f32 v10, v15;
	v19 =	vld.idx.msk [tilespmem:v17+s5+$0x0], $0xffff  }
0x83: {  	v15 =	vand.u32 $0x80000000, v8;
	vm0 =	vlt.f32 v8, $0.0e+00;
	vm1 =	vgt.f32 v8, $0.0e+00;
	v17 =	vld.idx.msk [tilespmem:v17+s24+$0x0], $0xffff  }
0x84: {  	v15 =	vor.u32 v15, v0;
	vm0 =	vmor vm1, vm0;
	vm1 =	vlt.f32 v10, $0.0e+00;
	v20 =	vld.idx.msk [tilespmem:v16+s5+$0x0], $0xffff  }
0x85: {  	v8 =	vsel vm0, v15, v8;
	vm0 =	vgt.f32 v10, $0.0e+00;
	v11 =	vsub.f32 v14, v11;
	v14 =	vld.idx.msk [tilespmem:v16+s24+$0x0], $0xffff  }
0x86: {  	v5 =	vmul.f32 v6, v5;
	v6 =	vand.u32 $0x80000000, v10;
	v8 =	vmul.f32 v8, v9;
	v21 =	vld.idx.msk [tilespmem:v13+s5+$0x0], $0xffff  }
0x87: {  	v6 =	vor.u32 v6, v0;
	vm0 =	vmor vm0, vm1;
	v13 =	vld.idx.msk [tilespmem:v13+s24+$0x0], $0xffff  }
0x88: {  	v6 =	vsel vm0, v6, v10;
	v4 =	vadd.f32 v8, v4;
	v8 =	vand.u32 $0x80000000, v11;
	v10 =	vld [tilespmem:s13+$0x0]  }
0x89: {  	vm0 =	vlt.f32 v11, $0.0e+00;
	v5 =	vmul.f32 v6, v5;
	v15 =	vor.u32 v8, v0;
	v9 =	vld [tilespmem:s12+$0xFFFFFFF0]  }
0x8a: {  	v12 =	vsub.f32 v18, v12;
	vm1 =	vgt.f32 v11, $0.0e+00;
	v8 =	vld [tilespmem:s13+$0x10]  }
0x8b: {  	vm3 =	vmor vm1, vm0;
	v4 =	vadd.f32 v5, v4;
	v5 =	vsub.f32 v19, v17;
	v23 =	vld [tilespmem:s12+$0x0]  }
0x8c: {  	vm0 =	vlt.f32 v12, $0.0e+00;
	v19 =	vand.u32 $0x80000000, v12;
	v17 =	vsub.f32 v20, v14;
	v16 =	vld.idx.msk [tilespmem:v22+s24+$0x0], $0xffff  }
.Ltmp2:
0x8d: {  	vm2 =	vgt.f32 v12, $0.0e+00;
	vm1 =	vgt.f32 v5, $0.0e+00;
	v6 =	vsub.f32 v21, v13;
	v22 =	vld [tilespmem:s13+$0x20];
	(pc) =	sbr.rel @p0 .LBB2_3-.Ltmp2, $4  }
0x8e: {  	v13 =	vand.u32 $0x80000000, v5;
	vm5 =	vlt.f32 v17, $0.0e+00;
	vm6 =	vgt.f32 v17, $0.0e+00;
	v14 =	vld [tilespmem:s12+$0x30]  }
0x8f: {  	vm4 =	vmor vm2, vm0;
	v24 =	vand.u32 $0x80000000, v17;
	v18 =	vld [tilespmem:s13+$0xFFFFFFF0];
	v8 =	vsub.f32 v8, v7  }
0x90: {  	vm5 =	vmor vm6, vm5;
	vm0 =	vlt.f32 v6, $0.0e+00;
	v21 =	vld [tilespmem:s13+$0xFFFFFFE0];
	v20 =	vsub.f32 v10, v23  }
0x91: {  	s15 =	sadd.s32 $0x80, s15;
	vm2 =	vgt.f32 v6, $0.0e+00;
	v23 =	vor.u32 v19, v0;
	v10 =	vand.u32 $0x7FFFFFFF, v8;
	v19 =	vld [tilespmem:s13+$0x30]  }
0x92: {  	s12 =	sshll.u32 s11, $0xF;
	p0 =	seq.s32 s11, $0xF  }
0x93: {  	s13 =	sadd.s32 @!p0 s12, s18  }
0x94: {  	s13 =	sshrl.u32 @!p0 s13, $0x3  }
0x95: {  	s15 =	simm.s32 @!p0 $0x0;
	s14 =	sadd.s32 @!p0 s1, s13  }
0x96: {  	[tilespmem:s15], [sflag:$0x1] =	stream.linear.gather @!p0 [hbm4b:s14+s15], $0x2000, $0x38;
	[tilespmem:$0x18080] =	vst v63  }
0x97: {  	s16 =	simm.s32 @!p0 $0x2000;
	s14 =	sadd.s32 @!p0 s2, s13  }
0x98: {  	[tilespmem:s16], [sflag:$0x1] =	stream.linear.gather @!p0 [hbm4b:s14+s15], $0x2000, $0x38;
	[tilespmem:$0x18080] =	vst v63  }
0x99: {  	s13 =	sadd.s32 @!p0 s4, s13;
	s14 =	simm.s32 @!p0 $0x4000  }
0x9a: {  	[tilespmem:s14], [sflag:$0x1] =	stream.linear.gather @!p0 [hbm4b:s13+s15], $0x2000, $0x38;
	[tilespmem:$0x18080] =	vst v63  }
0x9b: {  	_ =	swait.ge [sflag:s6], $0x2000  }
0x9c: {  	[sflag:s6] =	ssyncset.done $0x0  }
0x9d: {  	[sflag:s6] =	ssyncadd.s32 $0xFFFFE000  }
0x9e: {  	_ =	swait.ge [sflag:s6], $0x2000  }
0x9f: {  	[sflag:s6] =	ssyncset.done $0x0  }
0xa0: {  	[sflag:s6] =	ssyncadd.s32 $0xFFFFE000  }
0xa1: {  	_ =	swait.ge [sflag:s6], $0x2000  }
0xa2: {  	[sflag:s6] =	ssyncset.done $0x0  }
0xa3: {  	s16 =	simm.s32 $0xA040;
	[sflag:s6] =	ssyncadd.s32 $0xFFFFE000  }
0xa4: {  	s13 =	simm.s32 $0x8040;
	v25 =	vld [tilespmem:s16+$0x30]  }
0xa5: {  	v7 =	vld [tilespmem:s13+$0x10]  }
0xa6: {  	v26 =	vld [tilespmem:s16+$0x10]  }
0xa7: {  	v11 =	vsel vm3, v15, v11;
	v2 =	vsub.f32 v22, v2;
	v22 =	vor.u32 v24, v0;
	v15 =	vld [tilespmem:s16+$0xFFFFFFD0]  }
0xa8: {  	v3 =	vsub.f32 v3, v16;
	v16 =	vand.u32 $0x7FFFFFFF, v20;
	v12 =	vsel vm4, v23, v12;
	v24 =	vld [tilespmem:s16+$0x20]  }
0xa9: {  	v17 =	vsel vm5, v22, v17;
	v16 =	vmul.f32 v16, v20;
	v21 =	vsub.f32 v21, v1;
	v22 =	vld [tilespmem:s16+$0xFFFFFFC0]  }
0xaa: {  	v9 =	vsub.f32 v18, v9;
	v18 =	vand.u32 $0x80000000, v3;
	vm3 =	vlt.f32 v3, $0.0e+00;
	v1 =	vld [tilespmem:s13+$0xFFFFFFE0]  }
0xab: {  	vm4 =	vgt.f32 v3, $0.0e+00;
	v18 =	vor.u32 v18, v0;
	v20 =	vand.u32 $0x7FFFFFFF, v21;
	v23 =	vld [tilespmem:s13+$0xFFFFFFD0]  }
0xac: {  	vm3 =	vmor vm4, vm3;
	v11 =	vmul.f32 v11, v16;
	v20 =	vmul.f32 v20, v21;
	v21 =	vld [tilespmem:s16+$0xFFFFFFE0]  }
0xad: {  	s17 =	simm.s32 $0x0;
	v14 =	vsub.f32 v19, v14;
	v3 =	vsel vm3, v18, v3;
	v18 =	vand.u32 $0x7FFFFFFF, v9;
	s14 =	simm.s32 $0x6040;
	v19 =	vld [tilespmem:s16+$0x0]  }
0xae: {  	v9 =	vmul.f32 v18, v9;
	v3 =	vmul.f32 v3, v20;
	v18 =	vld [tilespmem:s14+$0xFFFFFFC0];
	v15 =	vadd.s32 s17, v15  }
0xaf: {  	vm3 =	vlt.f32 v5, $0.0e+00;
	v20 =	vand.u32 $0x7FFFFFFF, v2;
	v16 =	vld [tilespmem:s13+$0xFFFFFFC0];
	v22 =	vadd.s32 s17, v22  }
0xb0: {  	v9 =	vmul.f32 v12, v9;
	v12 =	vmul.f32 v20, v2;
	v2 =	vadd.f32 v3, v4;
	v3 =	vld [tilespmem:s16+$0xFFFFFFF0]  }
0xb1: {  	v8 =	vmul.f32 v10, v8;
	vm1 =	vmor vm1, vm3;
	v10 =	vld [tilespmem:s14+$0xFFFFFFD0]  }
0xb2: {  	v4 =	vor.u32 v13, v0;
	v9 =	vadd.f32 v9, v2;
	v2 =	vld [tilespmem:s13+$0x20];
	v13 =	vadd.s32 s17, v21  }
0xb3: {  	v4 =	vsel vm1, v4, v5;
	v5 =	vmul.f32 v17, v12;
	v17 =	vadd.s32 s17, v19;
	v12 =	vld.idx.msk [tilespmem:v15+s26+$0x0], $0xffff  }
0xb4: {  	v4 =	vmul.f32 v4, v8;
	v8 =	vand.u32 $0x7FFFFFFF, v14;
	v9 =	vadd.f32 v11, v9;
	v11 =	vld.idx.msk [tilespmem:v22+s26+$0x0], $0xffff  }
0xb5: {  	v8 =	vmul.f32 v8, v14;
	v14 =	vand.u32 $0x80000000, v6;
	v20 =	vadd.s32 s17, v3;
	v19 =	vld.idx.msk [tilespmem:v22+s28+$0x0], $0xffff  }
0xb6: {  	vm0 =	vmor vm2, vm0;
	v4 =	vadd.f32 v4, v9;
	v3 =	vor.u32 v14, v0;
	v9 =	vld.idx.msk [tilespmem:v15+s28+$0x0], $0xffff  }
0xb7: {  	v14 =	vadd.s32 s17, v26;
	v6 =	vsel vm0, v3, v6;
	v3 =	vld.idx.msk [tilespmem:v13+s26+$0x0], $0xffff  }
0xb8: {  	v4 =	vadd.f32 v5, v4;
	v6 =	vmul.f32 v6, v8;
	v5 =	vld.idx.msk [tilespmem:v17+s28+$0x0], $0xffff  }
0xb9: {  	v10 =	vsub.f32 v10, v23;
	v8 =	vsub.f32 v18, v16;
	v15 =	vld.idx.msk [tilespmem:v17+s26+$0x0], $0xffff  }
0xba: {  	v16 =	vadd.s32 s17, v24;
	v4 =	vadd.f32 v6, v4;
	v6 =	vld.idx.msk [tilespmem:v20+s26+$0x0], $0xffff  }
0xbb: {  	v17 =	vand.u32 $0x7FFFFFFF, v8;
	v18 =	vld.idx.msk [tilespmem:v20+s28+$0x0], $0xffff;
	v20 =	vand.u32 $0x7FFFFFFF, v10  }
0xbc: {  	v8 =	vmul.f32 v17, v8;
	v17 =	vld.idx.msk [tilespmem:v14+s26+$0x0], $0xffff;
	v11 =	vsub.f32 v11, v19;
	v19 =	vadd.s32 s17, v25  }
0xbd: {  	v14 =	vld.idx.msk [tilespmem:v14+s28+$0x0], $0xffff;
	v10 =	vmul.f32 v20, v10;
	v9 =	vsub.f32 v12, v9  }
0xbe: {  	v20 =	vld [tilespmem:s14+$0x0];
	v12 =	vand.u32 $0x80000000, v11;
	vm0 =	vlt.f32 v11, $0.0e+00;
	vm1 =	vgt.f32 v11, $0.0e+00  }
0xbf: {  	v21 =	vld.idx.msk [tilespmem:v16+s26+$0x0], $0xffff;
	v12 =	vor.u32 v12, v0;
	vm0 =	vmor vm1, vm0;
	vm1 =	vlt.f32 v9, $0.0e+00  }
0xc0: {  	v22 =	vld.idx.msk [tilespmem:v16+s28+$0x0], $0xffff;
	v12 =	vsel vm0, v12, v11;
	vm0 =	vgt.f32 v9, $0.0e+00;
	v11 =	vsub.f32 v15, v5  }
0xc1: {  	v5 =	vmul.f32 v12, v8;
	v8 =	vand.u32 $0x80000000, v9;
	v23 =	vld.idx.msk [tilespmem:v19+s26+$0x0], $0xffff;
	vm0 =	vmor vm0, vm1  }
0xc2: {  	v19 =	vld.idx.msk [tilespmem:v19+s28+$0x0], $0xffff;
	v8 =	vor.u32 v8, v0;
	v12 =	vand.u32 $0x80000000, v11;
	vm1 =	vgt.f32 v11, $0.0e+00  }
0xc3: {  	v16 =	vld.idx.msk [tilespmem:v13+s28+$0x0], $0xffff;
	v8 =	vsel vm0, v8, v9;
	v15 =	vor.u32 v12, v0;
	v12 =	vsub.f32 v6, v18  }
0xc4: {  	v4 =	vadd.f32 v5, v4;
	vm0 =	vlt.f32 v11, $0.0e+00;
	v5 =	vmul.f32 v8, v10;
	v8 =	vld [tilespmem:s14+$0x10]  }
0xc5: {  	v9 =	vld [tilespmem:s13+$0xFFFFFFF0];
	vm3 =	vmor vm1, vm0;
	v25 =	vand.u32 $0x80000000, v12;
	vm0 =	vlt.f32 v12, $0.0e+00  }
0xc6: {  	v10 =	vld [tilespmem:s13+$0x0];
	vm2 =	vgt.f32 v12, $0.0e+00;
	v4 =	vadd.f32 v5, v4;
	v5 =	vsub.f32 v17, v14  }
0xc7: {  	v17 =	vsub.f32 v21, v22;
	v22 =	vld [tilespmem:s14+$0x20];
	v6 =	vsub.f32 v23, v19;
	vm4 =	vmor vm2, vm0  }
0xc8: {  	v18 =	vld [tilespmem:s14+$0xFFFFFFF0];
	v23 =	vor.u32 v25, v0;
	vm1 =	vgt.f32 v5, $0.0e+00;
	v13 =	vand.u32 $0x80000000, v5  }
0xc9: {  	v14 =	vld [tilespmem:s13+$0x30];
	vm5 =	vlt.f32 v17, $0.0e+00;
	vm6 =	vgt.f32 v17, $0.0e+00;
	v8 =	vsub.f32 v8, v7  }
0xca: {  	v21 =	vld [tilespmem:s14+$0xFFFFFFE0];
	v24 =	vand.u32 $0x80000000, v17;
	vm0 =	vlt.f32 v6, $0.0e+00;
	vm2 =	vgt.f32 v6, $0.0e+00  }
0xcb: {  	s15 =	simm.s32 $0x80;
	s16 =	simm.s32 $0xA0C0;
	v19 =	vld [tilespmem:s14+$0x30];
	v20 =	vsub.f32 v20, v10;
	vm5 =	vmor vm6, vm5;
	v10 =	vand.u32 $0x7FFFFFFF, v8  }
.LBB2_5:
0xcc: {  	v25 =	vld [tilespmem:s16+$0x30];
	p1 =	sne.s32 s15, $0x1F80;
	v11 =	vsel vm3, v15, v11;
	v2 =	vsub.f32 v22, v2;
	v15 =	vor.u32 v24, v0;
	s13 =	sadd.s32 $0x80, s13;
	s14 =	sadd.s32 $0x80, s14  }
0xcd: {  	v3 =	vsub.f32 v3, v16;
	v16 =	vand.u32 $0x7FFFFFFF, v20;
	s17 =	smov.u32 s15;
	s15 =	sadd.s32 $0x80, s15;
	v7 =	vld [tilespmem:s13+$0x10];
	v15 =	vsel vm5, v15, v17  }
0xce: {  	v13 =	vor.u32 v13, v0;
	vm3 =	vlt.f32 v5, $0.0e+00;
	v17 =	vld [tilespmem:s16+$0x10];
	v22 =	vand.u32 $0x7FFFFFFF, v2  }
0xcf: {  	v12 =	vsel vm4, v23, v12;
	v24 =	vld [tilespmem:s16+$0xFFFFFFD0];
	v21 =	vsub.f32 v21, v1;
	v1 =	vmul.f32 v16, v20  }
0xd0: {  	vm1 =	vmor vm1, vm3;
	v9 =	vsub.f32 v18, v9;
	v16 =	vld [tilespmem:s16+$0x20];
	v14 =	vsub.f32 v19, v14  }
0xd1: {  	vm3 =	vlt.f32 v3, $0.0e+00;
	v19 =	vand.u32 $0x80000000, v3;
	v18 =	vld [tilespmem:s16+$0xFFFFFFC0];
	v11 =	vmul.f32 v11, v1  }
0xd2: {  	v23 =	vand.u32 $0x80000000, v6;
	vm4 =	vgt.f32 v3, $0.0e+00;
	v20 =	vand.u32 $0x7FFFFFFF, v9;
	v1 =	vld [tilespmem:s13+$0xFFFFFFE0]  }
0xd3: {  	vm0 =	vmor vm2, vm0;
	v23 =	vor.u32 v23, v0;
	v27 =	vand.u32 $0x7FFFFFFF, v21;
	v26 =	vld [tilespmem:s13+$0xFFFFFFD0]  }
0xd4: {  	v6 =	vsel vm0, v23, v6;
	v9 =	vmul.f32 v20, v9;
	v21 =	vmul.f32 v27, v21;
	v28 =	vld [tilespmem:s16+$0xFFFFFFE0]  }
0xd5: {  	v5 =	vsel vm1, v13, v5;
	vm0 =	vmor vm4, vm3;
	v19 =	vor.u32 v19, v0;
	v20 =	vld [tilespmem:s16+$0x0]  }
0xd6: {  	v3 =	vsel vm0, v19, v3;
	v9 =	vmul.f32 v12, v9;
	v23 =	vadd.s32 s17, v24;
	v13 =	vld [tilespmem:s14+$0xFFFFFFC0]  }
0xd7: {  	v2 =	vmul.f32 v22, v2;
	v3 =	vmul.f32 v3, v21;
	v18 =	vadd.s32 s17, v18;
	v12 =	vld [tilespmem:s13+$0xFFFFFFC0]  }
0xd8: {  	v8 =	vmul.f32 v10, v8;
	v10 =	vand.u32 $0x7FFFFFFF, v14;
	v19 =	vld [tilespmem:s16+$0xFFFFFFF0]  }
0xd9: {  	v3 =	vadd.f32 v3, v4;
	v4 =	vmul.f32 v15, v2;
	v21 =	vld [tilespmem:s14+$0xFFFFFFD0];
	v22 =	vadd.s32 s17, v28  }
0xda: {  	v5 =	vmul.f32 v5, v8;
	v8 =	vmul.f32 v10, v14;
	v2 =	vld [tilespmem:s13+$0x20]  }
0xdb: {  	v3 =	vadd.f32 v9, v3;
	v14 =	vadd.s32 s17, v20;
	v10 =	vld.idx.msk [tilespmem:v23+s26+$0x0], $0xffff  }
0xdc: {  	v6 =	vmul.f32 v6, v8;
	v9 =	vsub.f32 v13, v12;
	v12 =	vld.idx.msk [tilespmem:v18+s26+$0x0], $0xffff  }
0xdd: {  	v11 =	vadd.f32 v11, v3;
	v8 =	vld.idx.msk [tilespmem:v18+s28+$0x0], $0xffff;
	v13 =	vadd.s32 s17, v19  }
0xde: {  	v3 =	vand.u32 $0x7FFFFFFF, v9;
	v15 =	vld.idx.msk [tilespmem:v23+s28+$0x0], $0xffff  }
0xdf: {  	v17 =	vadd.s32 s17, v17;
	v5 =	vadd.f32 v5, v11;
	v9 =	vmul.f32 v3, v9;
	v3 =	vld.idx.msk [tilespmem:v22+s26+$0x0], $0xffff  }
0xe0: {  	v11 =	vld.idx.msk [tilespmem:v14+s28+$0x0], $0xffff  }
0xe1: {  	v16 =	vadd.s32 s17, v16;
	v4 =	vadd.f32 v4, v5;
	v14 =	vld.idx.msk [tilespmem:v14+s26+$0x0], $0xffff  }
0xe2: {  	v5 =	vsub.f32 v21, v26;
	v18 =	vld.idx.msk [tilespmem:v13+s26+$0x0], $0xffff  }
0xe3: {  	v4 =	vadd.f32 v6, v4;
	v8 =	vsub.f32 v12, v8;
	v12 =	vld.idx.msk [tilespmem:v13+s28+$0x0], $0xffff;
	v13 =	vadd.s32 s17, v25  }
0xe4: {  	v6 =	vand.u32 $0x7FFFFFFF, v5;
	v10 =	vsub.f32 v10, v15;
	v19 =	vld.idx.msk [tilespmem:v17+s26+$0x0], $0xffff  }
0xe5: {  	v15 =	vand.u32 $0x80000000, v8;
	vm0 =	vlt.f32 v8, $0.0e+00;
	vm1 =	vgt.f32 v8, $0.0e+00;
	v17 =	vld.idx.msk [tilespmem:v17+s28+$0x0], $0xffff  }
0xe6: {  	v15 =	vor.u32 v15, v0;
	vm0 =	vmor vm1, vm0;
	vm1 =	vlt.f32 v10, $0.0e+00;
	v20 =	vld.idx.msk [tilespmem:v16+s26+$0x0], $0xffff  }
0xe7: {  	v8 =	vsel vm0, v15, v8;
	vm0 =	vgt.f32 v10, $0.0e+00;
	v11 =	vsub.f32 v14, v11;
	v14 =	vld.idx.msk [tilespmem:v16+s28+$0x0], $0xffff  }
0xe8: {  	v5 =	vmul.f32 v6, v5;
	v6 =	vand.u32 $0x80000000, v10;
	v8 =	vmul.f32 v8, v9;
	v21 =	vld.idx.msk [tilespmem:v13+s26+$0x0], $0xffff  }
0xe9: {  	v6 =	vor.u32 v6, v0;
	vm0 =	vmor vm0, vm1;
	v13 =	vld.idx.msk [tilespmem:v13+s28+$0x0], $0xffff  }
0xea: {  	v6 =	vsel vm0, v6, v10;
	v4 =	vadd.f32 v8, v4;
	v8 =	vand.u32 $0x80000000, v11;
	v10 =	vld [tilespmem:s14+$0x0]  }
0xeb: {  	vm0 =	vlt.f32 v11, $0.0e+00;
	v5 =	vmul.f32 v6, v5;
	v15 =	vor.u32 v8, v0;
	v9 =	vld [tilespmem:s13+$0xFFFFFFF0]  }
0xec: {  	v12 =	vsub.f32 v18, v12;
	vm1 =	vgt.f32 v11, $0.0e+00;
	v8 =	vld [tilespmem:s14+$0x10]  }
0xed: {  	vm3 =	vmor vm1, vm0;
	v4 =	vadd.f32 v5, v4;
	v5 =	vsub.f32 v19, v17;
	v23 =	vld [tilespmem:s13+$0x0]  }
0xee: {  	vm0 =	vlt.f32 v12, $0.0e+00;
	v19 =	vand.u32 $0x80000000, v12;
	v17 =	vsub.f32 v20, v14;
	v16 =	vld.idx.msk [tilespmem:v22+s28+$0x0], $0xffff  }
.Ltmp3:
0xef: {  	vm2 =	vgt.f32 v12, $0.0e+00;
	vm1 =	vgt.f32 v5, $0.0e+00;
	v6 =	vsub.f32 v21, v13;
	v22 =	vld [tilespmem:s14+$0x20];
	(pc) =	sbr.rel @p1 .LBB2_5-.Ltmp3, $4  }
0xf0: {  	v13 =	vand.u32 $0x80000000, v5;
	vm5 =	vlt.f32 v17, $0.0e+00;
	vm6 =	vgt.f32 v17, $0.0e+00;
	v14 =	vld [tilespmem:s13+$0x30]  }
0xf1: {  	vm4 =	vmor vm2, vm0;
	v24 =	vand.u32 $0x80000000, v17;
	v18 =	vld [tilespmem:s14+$0xFFFFFFF0];
	v8 =	vsub.f32 v8, v7  }
0xf2: {  	vm5 =	vmor vm6, vm5;
	vm0 =	vlt.f32 v6, $0.0e+00;
	v21 =	vld [tilespmem:s14+$0xFFFFFFE0];
	v20 =	vsub.f32 v10, v23  }
0xf3: {  	s16 =	sadd.s32 $0x80, s16;
	vm2 =	vgt.f32 v6, $0.0e+00;
	v23 =	vor.u32 v19, v0;
	v10 =	vand.u32 $0x7FFFFFFF, v8;
	v19 =	vld [tilespmem:s14+$0x30]  }
0xf4: {  	s13 =	sadd.s32 @!p0 s12, s19  }
0xf5: {  	s13 =	sshrl.u32 @!p0 s13, $0x3  }
0xf6: {  	s15 =	simm.s32 @!p0 $0x0;
	s16 =	simm.s32 @!p0 $0x6000;
	s14 =	sadd.s32 @!p0 s1, s13  }
0xf7: {  	[tilespmem:s16], [sflag:$0x2] =	stream.linear.gather @!p0 [hbm4b:s14+s15], $0x2000, $0x38;
	[tilespmem:$0x18080] =	vst v63  }
0xf8: {  	s14 =	sadd.s32 @!p0 s2, s13;
	s16 =	simm.s32 @!p0 $0x8000  }
0xf9: {  	[tilespmem:s16], [sflag:$0x2] =	stream.linear.gather @!p0 [hbm4b:s14+s15], $0x2000, $0x38;
	[tilespmem:$0x18080] =	vst v63  }
0xfa: {  	s13 =	sadd.s32 @!p0 s4, s13;
	s14 =	simm.s32 @!p0 $0xA000  }
0xfb: {  	[tilespmem:s14], [sflag:$0x2] =	stream.linear.gather @!p0 [hbm4b:s13+s15], $0x2000, $0x38;
	[tilespmem:$0x18080] =	vst v63  }
0xfc: {  	_ =	swait.ge [sflag:s7], $0x2000  }
0xfd: {  	[sflag:s7] =	ssyncset.done $0x0  }
0xfe: {  	[sflag:s7] =	ssyncadd.s32 $0xFFFFE000  }
0xff: {  	_ =	swait.ge [sflag:s7], $0x2000  }
0x100: {  	[sflag:s7] =	ssyncset.done $0x0  }
0x101: {  	[sflag:s7] =	ssyncadd.s32 $0xFFFFE000  }
0x102: {  	_ =	swait.ge [sflag:s7], $0x2000  }
0x103: {  	[sflag:s7] =	ssyncset.done $0x0  }
0x104: {  	s16 =	simm.s32 $0x10040;
	[sflag:s7] =	ssyncadd.s32 $0xFFFFE000  }
0x105: {  	s13 =	simm.s32 $0xE040;
	v25 =	vld [tilespmem:s16+$0x30]  }
0x106: {  	v7 =	vld [tilespmem:s13+$0x10]  }
0x107: {  	v11 =	vsel vm3, v15, v11;
	v26 =	vld [tilespmem:s16+$0x10]  }
0x108: {  	v2 =	vsub.f32 v22, v2;
	v22 =	vor.u32 v24, v0;
	v3 =	vsub.f32 v3, v16;
	v15 =	vld [tilespmem:s16+$0xFFFFFFD0]  }
0x109: {  	v16 =	vand.u32 $0x7FFFFFFF, v20;
	v12 =	vsel vm4, v23, v12;
	v17 =	vsel vm5, v22, v17;
	v24 =	vld [tilespmem:s16+$0x20]  }
0x10a: {  	v16 =	vmul.f32 v16, v20;
	v9 =	vsub.f32 v18, v9;
	v21 =	vsub.f32 v21, v1;
	v22 =	vld [tilespmem:s16+$0xFFFFFFC0]  }
0x10b: {  	v18 =	vand.u32 $0x80000000, v3;
	vm3 =	vlt.f32 v3, $0.0e+00;
	vm4 =	vgt.f32 v3, $0.0e+00;
	v1 =	vld [tilespmem:s13+$0xFFFFFFE0]  }
0x10c: {  	v18 =	vor.u32 v18, v0;
	vm3 =	vmor vm4, vm3;
	v20 =	vand.u32 $0x7FFFFFFF, v21;
	v23 =	vld [tilespmem:s13+$0xFFFFFFD0]  }
0x10d: {  	v3 =	vsel vm3, v18, v3;
	v18 =	vand.u32 $0x7FFFFFFF, v9;
	v20 =	vmul.f32 v20, v21;
	v21 =	vld [tilespmem:s16+$0xFFFFFFE0]  }
0x10e: {  	v14 =	vsub.f32 v19, v14;
	v9 =	vmul.f32 v18, v9;
	s14 =	simm.s32 $0xC040;
	v19 =	vld [tilespmem:s16+$0x0]  }
0x10f: {  	s17 =	simm.s32 $0x0;
	v8 =	vmul.f32 v10, v8;
	vm3 =	vlt.f32 v5, $0.0e+00;
	v3 =	vmul.f32 v3, v20;
	v10 =	vld [tilespmem:s14+$0xFFFFFFD0]  }
0x110: {  	v9 =	vmul.f32 v12, v9;
	v20 =	vand.u32 $0x7FFFFFFF, v2;
	v18 =	vld [tilespmem:s14+$0xFFFFFFC0];
	v15 =	vadd.s32 s17, v15  }
0x111: {  	v12 =	vmul.f32 v20, v2;
	v2 =	vadd.f32 v3, v4;
	v3 =	vld [tilespmem:s16+$0xFFFFFFF0];
	v22 =	vadd.s32 s17, v22  }
0x112: {  	v11 =	vmul.f32 v11, v16;
	vm1 =	vmor vm1, vm3;
	v4 =	vor.u32 v13, v0;
	v16 =	vld [tilespmem:s13+$0xFFFFFFC0]  }
0x113: {  	v4 =	vsel vm1, v4, v5;
	v9 =	vadd.f32 v9, v2;
	v2 =	vld [tilespmem:s13+$0x20]  }
0x114: {  	v5 =	vmul.f32 v17, v12;
	v13 =	vadd.s32 s17, v19;
	v10 =	vsub.f32 v10, v23;
	v23 =	vld [tilespmem:s14+$0x20]  }
0x115: {  	v4 =	vmul.f32 v4, v8;
	v8 =	vand.u32 $0x7FFFFFFF, v14;
	v9 =	vadd.f32 v11, v9;
	v12 =	vld.idx.msk [tilespmem:v15+s30+$0x0], $0xffff  }
0x116: {  	v8 =	vmul.f32 v8, v14;
	v14 =	vand.u32 $0x80000000, v6;
	v19 =	vadd.s32 s17, v3;
	v11 =	vld.idx.msk [tilespmem:v22+s30+$0x0], $0xffff  }
0x117: {  	vm0 =	vmor vm2, vm0;
	v4 =	vadd.f32 v4, v9;
	v3 =	vor.u32 v14, v0;
	v17 =	vld.idx.msk [tilespmem:v22+s31+$0x0], $0xffff  }
0x118: {  	v6 =	vsel vm0, v3, v6;
	v9 =	vld.idx.msk [tilespmem:v15+s31+$0x0], $0xffff;
	v15 =	vadd.s32 s17, v24  }
0x119: {  	v4 =	vadd.f32 v5, v4;
	v6 =	vmul.f32 v6, v8;
	v5 =	vld.idx.msk [tilespmem:v13+s31+$0x0], $0xffff  }
0x11a: {  	v20 =	vadd.s32 s17, v21;
	v13 =	vld.idx.msk [tilespmem:v13+s30+$0x0], $0xffff  }
0x11b: {  	v8 =	vsub.f32 v18, v16;
	v4 =	vadd.f32 v6, v4;
	v6 =	vld.idx.msk [tilespmem:v19+s30+$0x0], $0xffff  }
0x11c: {  	v18 =	vadd.s32 s17, v25;
	v11 =	vsub.f32 v11, v17;
	v17 =	vld.idx.msk [tilespmem:v19+s31+$0x0], $0xffff  }
0x11d: {  	v14 =	vadd.s32 s17, v26;
	v16 =	vand.u32 $0x7FFFFFFF, v8;
	v19 =	vand.u32 $0x7FFFFFFF, v10;
	v21 =	vld.idx.msk [tilespmem:v15+s30+$0x0], $0xffff  }
0x11e: {  	v8 =	vmul.f32 v16, v8;
	v9 =	vsub.f32 v12, v9;
	v15 =	vld.idx.msk [tilespmem:v15+s31+$0x0], $0xffff;
	v10 =	vmul.f32 v19, v10  }
0x11f: {  	v3 =	vld.idx.msk [tilespmem:v20+s30+$0x0], $0xffff;
	v16 =	vand.u32 $0x80000000, v11;
	vm0 =	vlt.f32 v11, $0.0e+00;
	vm1 =	vgt.f32 v11, $0.0e+00  }
0x120: {  	v24 =	vld [tilespmem:s14+$0x0];
	v16 =	vor.u32 v16, v0;
	vm0 =	vmor vm1, vm0;
	vm1 =	vlt.f32 v9, $0.0e+00  }
0x121: {  	v22 =	vld.idx.msk [tilespmem:v18+s30+$0x0], $0xffff;
	v16 =	vsel vm0, v16, v11;
	vm0 =	vgt.f32 v9, $0.0e+00;
	v11 =	vsub.f32 v13, v5  }
0x122: {  	v19 =	vld.idx.msk [tilespmem:v18+s31+$0x0], $0xffff;
	v5 =	vmul.f32 v16, v8;
	v8 =	vand.u32 $0x80000000, v9;
	vm0 =	vmor vm0, vm1  }
0x123: {  	v12 =	vld.idx.msk [tilespmem:v14+s30+$0x0], $0xffff;
	v18 =	vsub.f32 v21, v15;
	v8 =	vor.u32 v8, v0;
	v13 =	vand.u32 $0x80000000, v11  }
0x124: {  	v14 =	vld.idx.msk [tilespmem:v14+s31+$0x0], $0xffff;
	vm1 =	vgt.f32 v11, $0.0e+00;
	v8 =	vsel vm0, v8, v9;
	v4 =	vadd.f32 v5, v4  }
0x125: {  	v16 =	vor.u32 v13, v0;
	vm0 =	vlt.f32 v11, $0.0e+00;
	v5 =	vmul.f32 v8, v10;
	v8 =	vld [tilespmem:s14+$0x10]  }
0x126: {  	v15 =	vld [tilespmem:s13+$0x30];
	v13 =	vsub.f32 v6, v17;
	vm5 =	vlt.f32 v18, $0.0e+00;
	vm6 =	vgt.f32 v18, $0.0e+00  }
0x127: {  	v6 =	vsub.f32 v22, v19;
	v10 =	vld [tilespmem:s13+$0x0];
	vm3 =	vmor vm1, vm0;
	vm5 =	vmor vm6, vm5  }
0x128: {  	v9 =	vld [tilespmem:s13+$0xFFFFFFF0];
	vm0 =	vlt.f32 v13, $0.0e+00;
	vm2 =	vgt.f32 v13, $0.0e+00;
	v4 =	vadd.f32 v5, v4  }
0x129: {  	v17 =	vld.idx.msk [tilespmem:v20+s31+$0x0], $0xffff;
	v5 =	vsub.f32 v12, v14;
	v12 =	vand.u32 $0x80000000, v13;
	vm4 =	vmor vm2, vm0  }
0x12a: {  	v19 =	vld [tilespmem:s14+$0xFFFFFFF0];
	vm0 =	vlt.f32 v6, $0.0e+00;
	vm2 =	vgt.f32 v6, $0.0e+00;
	v8 =	vsub.f32 v8, v7  }
0x12b: {  	v22 =	vld [tilespmem:s14+$0xFFFFFFE0];
	vm1 =	vgt.f32 v5, $0.0e+00;
	v14 =	vand.u32 $0x80000000, v5;
	v7 =	vand.u32 $0x80000000, v18  }
0x12c: {  	s15 =	simm.s32 $0x80;
	s16 =	simm.s32 $0x100C0;
	v20 =	vld [tilespmem:s14+$0x30];
	v21 =	vsub.f32 v24, v10;
	v24 =	vor.u32 v12, v0;
	v10 =	vand.u32 $0x7FFFFFFF, v8  }
.LBB2_7:
0x12d: {  	v12 =	vld [tilespmem:s16+$0x30];
	p1 =	sne.s32 s15, $0x1F80;
	v11 =	vsel vm3, v16, v11;
	v2 =	vsub.f32 v23, v2;
	v16 =	vor.u32 v7, v0;
	s13 =	sadd.s32 $0x80, s13;
	s14 =	sadd.s32 $0x80, s14  }
0x12e: {  	v3 =	vsub.f32 v3, v17;
	v17 =	vand.u32 $0x7FFFFFFF, v21;
	s17 =	smov.u32 s15;
	s15 =	sadd.s32 $0x80, s15;
	v7 =	vld [tilespmem:s13+$0x10];
	v16 =	vsel vm5, v16, v18  }
0x12f: {  	v14 =	vor.u32 v14, v0;
	vm3 =	vlt.f32 v5, $0.0e+00;
	v18 =	vld [tilespmem:s16+$0x10];
	v23 =	vand.u32 $0x7FFFFFFF, v2  }
0x130: {  	v13 =	vsel vm4, v24, v13;
	v25 =	vld [tilespmem:s16+$0xFFFFFFD0];
	v22 =	vsub.f32 v22, v1;
	v1 =	vmul.f32 v17, v21  }
0x131: {  	vm1 =	vmor vm1, vm3;
	v9 =	vsub.f32 v19, v9;
	v17 =	vld [tilespmem:s16+$0x20];
	v15 =	vsub.f32 v20, v15  }
0x132: {  	vm3 =	vlt.f32 v3, $0.0e+00;
	v20 =	vand.u32 $0x80000000, v3;
	v19 =	vld [tilespmem:s16+$0xFFFFFFC0];
	v11 =	vmul.f32 v11, v1  }
0x133: {  	v24 =	vand.u32 $0x80000000, v6;
	vm4 =	vgt.f32 v3, $0.0e+00;
	v21 =	vand.u32 $0x7FFFFFFF, v9;
	v1 =	vld [tilespmem:s13+$0xFFFFFFE0]  }
0x134: {  	vm0 =	vmor vm2, vm0;
	v24 =	vor.u32 v24, v0;
	v27 =	vand.u32 $0x7FFFFFFF, v22;
	v26 =	vld [tilespmem:s13+$0xFFFFFFD0]  }
0x135: {  	v6 =	vsel vm0, v24, v6;
	v9 =	vmul.f32 v21, v9;
	v22 =	vmul.f32 v27, v22;
	v28 =	vld [tilespmem:s16+$0xFFFFFFE0]  }
0x136: {  	v5 =	vsel vm1, v14, v5;
	vm0 =	vmor vm4, vm3;
	v20 =	vor.u32 v20, v0;
	v21 =	vld [tilespmem:s16+$0x0]  }
0x137: {  	v3 =	vsel vm0, v20, v3;
	v9 =	vmul.f32 v13, v9;
	v24 =	vadd.s32 s17, v25;
	v14 =	vld [tilespmem:s14+$0xFFFFFFC0]  }
0x138: {  	v2 =	vmul.f32 v23, v2;
	v3 =	vmul.f32 v3, v22;
	v19 =	vadd.s32 s17, v19;
	v13 =	vld [tilespmem:s13+$0xFFFFFFC0]  }
0x139: {  	v8 =	vmul.f32 v10, v8;
	v10 =	vand.u32 $0x7FFFFFFF, v15;
	v20 =	vld [tilespmem:s16+$0xFFFFFFF0]  }
0x13a: {  	v3 =	vadd.f32 v3, v4;
	v4 =	vmul.f32 v16, v2;
	v22 =	vld [tilespmem:s14+$0xFFFFFFD0];
	v23 =	vadd.s32 s17, v28  }
0x13b: {  	v5 =	vmul.f32 v5, v8;
	v8 =	vmul.f32 v10, v15;
	v2 =	vld [tilespmem:s13+$0x20]  }
0x13c: {  	v3 =	vadd.f32 v9, v3;
	v15 =	vadd.s32 s17, v21;
	v10 =	vld.idx.msk [tilespmem:v24+s30+$0x0], $0xffff  }
0x13d: {  	v6 =	vmul.f32 v6, v8;
	v9 =	vsub.f32 v14, v13;
	v13 =	vld.idx.msk [tilespmem:v19+s30+$0x0], $0xffff  }
0x13e: {  	v11 =	vadd.f32 v11, v3;
	v8 =	vld.idx.msk [tilespmem:v19+s31+$0x0], $0xffff;
	v14 =	vadd.s32 s17, v20  }
0x13f: {  	v3 =	vand.u32 $0x7FFFFFFF, v9;
	v16 =	vld.idx.msk [tilespmem:v24+s31+$0x0], $0xffff  }
0x140: {  	v18 =	vadd.s32 s17, v18;
	v5 =	vadd.f32 v5, v11;
	v9 =	vmul.f32 v3, v9;
	v3 =	vld.idx.msk [tilespmem:v23+s30+$0x0], $0xffff  }
0x141: {  	v11 =	vld.idx.msk [tilespmem:v15+s31+$0x0], $0xffff  }
0x142: {  	v17 =	vadd.s32 s17, v17;
	v4 =	vadd.f32 v4, v5;
	v15 =	vld.idx.msk [tilespmem:v15+s30+$0x0], $0xffff  }
0x143: {  	v5 =	vsub.f32 v22, v26;
	v19 =	vld.idx.msk [tilespmem:v14+s30+$0x0], $0xffff  }
0x144: {  	v12 =	vadd.s32 s17, v12;
	v4 =	vadd.f32 v6, v4;
	v8 =	vsub.f32 v13, v8;
	v13 =	vld.idx.msk [tilespmem:v14+s31+$0x0], $0xffff  }
0x145: {  	v6 =	vand.u32 $0x7FFFFFFF, v5;
	v10 =	vsub.f32 v10, v16;
	v14 =	vld.idx.msk [tilespmem:v18+s30+$0x0], $0xffff  }
0x146: {  	v16 =	vand.u32 $0x80000000, v8;
	vm0 =	vlt.f32 v8, $0.0e+00;
	vm1 =	vgt.f32 v8, $0.0e+00;
	v18 =	vld.idx.msk [tilespmem:v18+s31+$0x0], $0xffff  }
0x147: {  	v16 =	vor.u32 v16, v0;
	vm0 =	vmor vm1, vm0;
	vm1 =	vlt.f32 v10, $0.0e+00;
	v20 =	vld.idx.msk [tilespmem:v17+s30+$0x0], $0xffff  }
0x148: {  	v8 =	vsel vm0, v16, v8;
	vm0 =	vgt.f32 v10, $0.0e+00;
	v11 =	vsub.f32 v15, v11;
	v15 =	vld.idx.msk [tilespmem:v17+s31+$0x0], $0xffff  }
0x149: {  	v5 =	vmul.f32 v6, v5;
	v6 =	vand.u32 $0x80000000, v10;
	v8 =	vmul.f32 v8, v9;
	v21 =	vld.idx.msk [tilespmem:v12+s30+$0x0], $0xffff  }
0x14a: {  	v6 =	vor.u32 v6, v0;
	vm0 =	vmor vm0, vm1;
	v12 =	vld.idx.msk [tilespmem:v12+s31+$0x0], $0xffff  }
0x14b: {  	v6 =	vsel vm0, v6, v10;
	v4 =	vadd.f32 v8, v4;
	v8 =	vand.u32 $0x80000000, v11;
	v10 =	vld [tilespmem:s14+$0x0]  }
0x14c: {  	vm0 =	vlt.f32 v11, $0.0e+00;
	v5 =	vmul.f32 v6, v5;
	v16 =	vor.u32 v8, v0;
	v9 =	vld [tilespmem:s13+$0xFFFFFFF0]  }
0x14d: {  	v13 =	vsub.f32 v19, v13;
	vm1 =	vgt.f32 v11, $0.0e+00;
	v8 =	vld [tilespmem:s14+$0x10]  }
0x14e: {  	vm3 =	vmor vm1, vm0;
	v4 =	vadd.f32 v5, v4;
	v5 =	vsub.f32 v14, v18;
	v24 =	vld [tilespmem:s13+$0x0]  }
0x14f: {  	v25 =	vand.u32 $0x80000000, v13;
	vm0 =	vlt.f32 v13, $0.0e+00;
	v18 =	vsub.f32 v20, v15;
	v17 =	vld.idx.msk [tilespmem:v23+s31+$0x0], $0xffff  }
.Ltmp4:
0x150: {  	vm2 =	vgt.f32 v13, $0.0e+00;
	vm1 =	vgt.f32 v5, $0.0e+00;
	v6 =	vsub.f32 v21, v12;
	v23 =	vld [tilespmem:s14+$0x20];
	(pc) =	sbr.rel @p1 .LBB2_7-.Ltmp4, $4  }
0x151: {  	v14 =	vand.u32 $0x80000000, v5;
	vm5 =	vlt.f32 v18, $0.0e+00;
	vm6 =	vgt.f32 v18, $0.0e+00;
	v15 =	vld [tilespmem:s13+$0x30]  }
0x152: {  	vm4 =	vmor vm2, vm0;
	v19 =	vld [tilespmem:s14+$0xFFFFFFF0];
	v8 =	vsub.f32 v8, v7;
	v7 =	vand.u32 $0x80000000, v18  }
0x153: {  	vm5 =	vmor vm6, vm5;
	vm0 =	vlt.f32 v6, $0.0e+00;
	v22 =	vld [tilespmem:s14+$0xFFFFFFE0];
	v21 =	vsub.f32 v10, v24  }
0x154: {  	s16 =	sadd.s32 $0x80, s16;
	vm2 =	vgt.f32 v6, $0.0e+00;
	v24 =	vor.u32 v25, v0;
	v10 =	vand.u32 $0x7FFFFFFF, v8;
	v20 =	vld [tilespmem:s14+$0x30]  }
0x155: {  	s13 =	sadd.s32 @!p0 s12, s20  }
0x156: {  	s13 =	sshrl.u32 @!p0 s13, $0x3  }
0x157: {  	s15 =	simm.s32 @!p0 $0x0;
	s16 =	simm.s32 @!p0 $0xC000;
	s14 =	sadd.s32 @!p0 s1, s13  }
0x158: {  	[tilespmem:s16], [sflag:$0x3] =	stream.linear.gather @!p0 [hbm4b:s14+s15], $0x2000, $0x38;
	[tilespmem:$0x18080] =	vst v63  }
0x159: {  	s14 =	sadd.s32 @!p0 s2, s13;
	s16 =	simm.s32 @!p0 $0xE000  }
0x15a: {  	[tilespmem:s16], [sflag:$0x3] =	stream.linear.gather @!p0 [hbm4b:s14+s15], $0x2000, $0x38;
	[tilespmem:$0x18080] =	vst v63  }
0x15b: {  	s13 =	sadd.s32 @!p0 s4, s13;
	s14 =	simm.s32 @!p0 $0x10000  }
0x15c: {  	[tilespmem:s14], [sflag:$0x3] =	stream.linear.gather @!p0 [hbm4b:s13+s15], $0x2000, $0x38;
	[tilespmem:$0x18080] =	vst v63  }
0x15d: {  	_ =	swait.ge [sflag:s8], $0x2000  }
0x15e: {  	[sflag:s8] =	ssyncset.done $0x0  }
0x15f: {  	[sflag:s8] =	ssyncadd.s32 $0xFFFFE000  }
0x160: {  	_ =	swait.ge [sflag:s8], $0x2000  }
0x161: {  	[sflag:s8] =	ssyncset.done $0x0  }
0x162: {  	[sflag:s8] =	ssyncadd.s32 $0xFFFFE000  }
0x163: {  	_ =	swait.ge [sflag:s8], $0x2000  }
0x164: {  	[sflag:s8] =	ssyncset.done $0x0  }
0x165: {  	s16 =	simm.s32 $0x16040;
	[sflag:s8] =	ssyncadd.s32 $0xFFFFE000  }
0x166: {  	s13 =	simm.s32 $0x14040;
	v25 =	vld [tilespmem:s16+$0x30]  }
0x167: {  	v11 =	vsel vm3, v16, v11;
	v12 =	vld [tilespmem:s13+$0x10]  }
0x168: {  	v2 =	vsub.f32 v23, v2;
	v7 =	vor.u32 v7, v0;
	v3 =	vsub.f32 v3, v17;
	v26 =	vld [tilespmem:s16+$0x10]  }
0x169: {  	v17 =	vand.u32 $0x7FFFFFFF, v21;
	v13 =	vsel vm4, v24, v13;
	v7 =	vsel vm5, v7, v18;
	v16 =	vld [tilespmem:s16+$0xFFFFFFD0]  }
0x16a: {  	v17 =	vmul.f32 v17, v21;
	v9 =	vsub.f32 v19, v9;
	v18 =	vsub.f32 v22, v1;
	v23 =	vld [tilespmem:s16+$0x20]  }
0x16b: {  	v19 =	vand.u32 $0x80000000, v3;
	vm3 =	vlt.f32 v3, $0.0e+00;
	vm4 =	vgt.f32 v3, $0.0e+00;
	v22 =	vld [tilespmem:s16+$0xFFFFFFC0]  }
0x16c: {  	v19 =	vor.u32 v19, v0;
	vm3 =	vmor vm4, vm3;
	v21 =	vand.u32 $0x7FFFFFFF, v18;
	v1 =	vld [tilespmem:s13+$0xFFFFFFE0]  }
0x16d: {  	v3 =	vsel vm3, v19, v3;
	v19 =	vand.u32 $0x7FFFFFFF, v9;
	v18 =	vmul.f32 v21, v18;
	v61 =	vld [tilespmem:s13+$0xFFFFFFD0]  }
0x16e: {  	v9 =	vmul.f32 v19, v9;
	v21 =	vld [tilespmem:s16+$0xFFFFFFE0]  }
0x16f: {  	s17 =	simm.s32 $0x0;
	v8 =	vmul.f32 v10, v8;
	v15 =	vsub.f32 v20, v15;
	s14 =	simm.s32 $0x12040;
	v3 =	vmul.f32 v3, v18;
	v20 =	vld [tilespmem:s16+$0x0]  }
0x170: {  	v19 =	vand.u32 $0x7FFFFFFF, v2;
	v9 =	vmul.f32 v13, v9;
	v18 =	vld [tilespmem:s14+$0xFFFFFFC0];
	v16 =	vadd.s32 s17, v16  }
0x171: {  	v13 =	vmul.f32 v19, v2;
	v2 =	vadd.f32 v3, v4;
	v3 =	vld [tilespmem:s16+$0xFFFFFFF0];
	v22 =	vadd.s32 s17, v22  }
0x172: {  	vm0 =	vmor vm2, vm0;
	v11 =	vmul.f32 v11, v17;
	vm3 =	vlt.f32 v5, $0.0e+00;
	v17 =	vld [tilespmem:s13+$0xFFFFFFC0]  }
0x173: {  	vm1 =	vmor vm1, vm3;
	v4 =	vor.u32 v14, v0;
	v9 =	vadd.f32 v9, v2;
	v10 =	vld [tilespmem:s14+$0xFFFFFFD0]  }
0x174: {  	v4 =	vsel vm1, v4, v5;
	v5 =	vmul.f32 v7, v13;
	v62 =	vld [tilespmem:s13+$0x0];
	v13 =	vadd.s32 s17, v20  }
0x175: {  	v4 =	vmul.f32 v4, v8;
	v8 =	vand.u32 $0x7FFFFFFF, v15;
	v9 =	vadd.f32 v11, v9;
	v7 =	vld.idx.msk [tilespmem:v16+s3+$0x0], $0xffff  }
0x176: {  	v14 =	vand.u32 $0x80000000, v6;
	v8 =	vmul.f32 v8, v15;
	v20 =	vadd.s32 s17, v3;
	v11 =	vld.idx.msk [tilespmem:v22+s3+$0x0], $0xffff  }
0x177: {  	v4 =	vadd.f32 v4, v9;
	v3 =	vor.u32 v14, v0;
	v14 =	vadd.s32 s17, v26;
	v15 =	vld.idx.msk [tilespmem:v22+s25+$0x0], $0xffff  }
0x178: {  	v6 =	vsel vm0, v3, v6;
	v9 =	vld.idx.msk [tilespmem:v16+s25+$0x0], $0xffff  }
0x179: {  	v4 =	vadd.f32 v5, v4;
	v6 =	vmul.f32 v6, v8;
	v8 =	vsub.f32 v18, v17;
	v5 =	vld.idx.msk [tilespmem:v13+s25+$0x0], $0xffff  }
0x17a: {  	v13 =	vld.idx.msk [tilespmem:v13+s3+$0x0], $0xffff  }
0x17b: {  	v4 =	vadd.f32 v6, v4;
	v17 =	vand.u32 $0x7FFFFFFF, v8;
	v16 =	vadd.s32 s17, v23;
	v6 =	vld.idx.msk [tilespmem:v20+s3+$0x0], $0xffff  }
0x17c: {  	v8 =	vmul.f32 v17, v8;
	v17 =	vld.idx.msk [tilespmem:v14+s3+$0x0], $0xffff  }
0x17d: {  	v18 =	vadd.s32 s17, v25;
	v22 =	vld [tilespmem:s14+$0x0];
	v11 =	vsub.f32 v11, v15  }
0x17e: {  	v19 =	vadd.s32 s17, v21;
	v10 =	vsub.f32 v10, v61;
	v15 =	vld.idx.msk [tilespmem:v20+s25+$0x0], $0xffff;
	v7 =	vsub.f32 v7, v9  }
0x17f: {  	v20 =	vld.idx.msk [tilespmem:v14+s25+$0x0], $0xffff;
	v9 =	vand.u32 $0x80000000, v11;
	vm0 =	vlt.f32 v11, $0.0e+00;
	vm1 =	vgt.f32 v11, $0.0e+00  }
0x180: {  	v14 =	vand.u32 $0x7FFFFFFF, v10;
	v21 =	vld.idx.msk [tilespmem:v16+s3+$0x0], $0xffff;
	v9 =	vor.u32 v9, v0;
	vm0 =	vmor vm1, vm0  }
0x181: {  	v16 =	vld.idx.msk [tilespmem:v16+s25+$0x0], $0xffff;
	vm1 =	vlt.f32 v7, $0.0e+00;
	v11 =	vsel vm0, v9, v11;
	vm0 =	vgt.f32 v7, $0.0e+00  }
0x182: {  	v9 =	vsub.f32 v13, v5;
	v13 =	vld.idx.msk [tilespmem:v18+s3+$0x0], $0xffff;
	v5 =	vmul.f32 v11, v8;
	v8 =	vand.u32 $0x80000000, v7  }
0x183: {  	v10 =	vmul.f32 v14, v10;
	v18 =	vld.idx.msk [tilespmem:v18+s25+$0x0], $0xffff;
	vm0 =	vmor vm0, vm1;
	v8 =	vor.u32 v8, v0  }
0x184: {  	v2 =	vld [tilespmem:s13+$0x20];
	vm1 =	vgt.f32 v9, $0.0e+00;
	v7 =	vsel vm0, v8, v7  }
0x185: {  	v3 =	vld.idx.msk [tilespmem:v19+s3+$0x0], $0xffff;
	v8 =	vand.u32 $0x80000000, v9;
	v4 =	vadd.f32 v5, v4;
	v5 =	vmul.f32 v7, v10  }
0x186: {  	v14 =	vor.u32 v8, v0;
	v10 =	vsub.f32 v6, v15;
	v8 =	vld [tilespmem:s14+$0x10];
	v6 =	vsub.f32 v17, v20  }
0x187: {  	vm0 =	vlt.f32 v9, $0.0e+00;
	v17 =	vld.idx.msk [tilespmem:v19+s25+$0x0], $0xffff;
	v15 =	vsub.f32 v21, v16;
	v19 =	vsub.f32 v22, v62  }
0x188: {  	v23 =	vld [tilespmem:s14+$0xFFFFFFE0];
	vm4 =	vmor vm1, vm0;
	v7 =	vsub.f32 v13, v18;
	v5 =	vadd.f32 v5, v4  }
0x189: {  	v21 =	vld [tilespmem:s14+$0x20];
	v63 =	vand.u32 $0x80000000, v10;
	vm1 =	vlt.f32 v10, $0.0e+00;
	vm2 =	vgt.f32 v10, $0.0e+00  }
0x18a: {  	v11 =	vld [tilespmem:s13+$0xFFFFFFF0];
	vm0 =	vgt.f32 v6, $0.0e+00;
	v16 =	vand.u32 $0x80000000, v6;
	vm5 =	vlt.f32 v15, $0.0e+00  }
0x18b: {  	v20 =	vld [tilespmem:s14+$0xFFFFFFF0];
	vm6 =	vgt.f32 v15, $0.0e+00;
	v4 =	vand.u32 $0x80000000, v15;
	v8 =	vsub.f32 v8, v12  }
0x18c: {  	v13 =	vld [tilespmem:s13+$0x30];
	vm3 =	vmor vm2, vm1;
	vm5 =	vmor vm6, vm5;
	vm1 =	vlt.f32 v7, $0.0e+00  }
0x18d: {  	s15 =	simm.s32 $0x80;
	s16 =	simm.s32 $0x160C0;
	v18 =	vld [tilespmem:s14+$0x30];
	v22 =	vor.u32 v63, v0;
	vm2 =	vgt.f32 v7, $0.0e+00;
	v12 =	vand.u32 $0x7FFFFFFF, v8  }
.LBB2_9:
0x18e: {  	v24 =	vld [tilespmem:s16+$0x30];
	p1 =	sne.s32 s15, $0x1F80;
	v9 =	vsel vm4, v14, v9;
	v2 =	vsub.f32 v21, v2;
	v14 =	vor.u32 v4, v0;
	s13 =	sadd.s32 $0x80, s13;
	s14 =	sadd.s32 $0x80, s14  }
0x18f: {  	v3 =	vsub.f32 v3, v17;
	v17 =	vand.u32 $0x7FFFFFFF, v19;
	s17 =	smov.u32 s15;
	s15 =	sadd.s32 $0x80, s15;
	v4 =	vld [tilespmem:s13+$0x10];
	v14 =	vsel vm5, v14, v15  }
0x190: {  	v16 =	vor.u32 v16, v0;
	vm4 =	vlt.f32 v6, $0.0e+00;
	v15 =	vld [tilespmem:s16+$0x10];
	v21 =	vand.u32 $0x7FFFFFFF, v2  }
0x191: {  	v10 =	vsel vm3, v22, v10;
	v25 =	vld [tilespmem:s16+$0xFFFFFFD0];
	v23 =	vsub.f32 v23, v1;
	v1 =	vmul.f32 v17, v19  }
0x192: {  	vm0 =	vmor vm0, vm4;
	v11 =	vsub.f32 v20, v11;
	v17 =	vld [tilespmem:s16+$0x20];
	v13 =	vsub.f32 v18, v13  }
0x193: {  	vm3 =	vlt.f32 v3, $0.0e+00;
	v19 =	vand.u32 $0x80000000, v3;
	v18 =	vld [tilespmem:s16+$0xFFFFFFC0];
	v9 =	vmul.f32 v9, v1  }
0x194: {  	v22 =	vand.u32 $0x80000000, v7;
	vm4 =	vgt.f32 v3, $0.0e+00;
	v20 =	vand.u32 $0x7FFFFFFF, v11;
	v1 =	vld [tilespmem:s13+$0xFFFFFFE0]  }
0x195: {  	vm1 =	vmor vm2, vm1;
	v22 =	vor.u32 v22, v0;
	v27 =	vand.u32 $0x7FFFFFFF, v23;
	v26 =	vld [tilespmem:s13+$0xFFFFFFD0]  }
0x196: {  	v7 =	vsel vm1, v22, v7;
	v11 =	vmul.f32 v20, v11;
	v23 =	vmul.f32 v27, v23;
	v28 =	vld [tilespmem:s16+$0xFFFFFFE0]  }
0x197: {  	v6 =	vsel vm0, v16, v6;
	vm1 =	vmor vm4, vm3;
	v19 =	vor.u32 v19, v0;
	v20 =	vld [tilespmem:s16+$0x0]  }
0x198: {  	v3 =	vsel vm1, v19, v3;
	v10 =	vmul.f32 v10, v11;
	v22 =	vadd.s32 s17, v25;
	v16 =	vld [tilespmem:s14+$0xFFFFFFC0]  }
0x199: {  	v2 =	vmul.f32 v21, v2;
	v3 =	vmul.f32 v3, v23;
	v18 =	vadd.s32 s17, v18;
	v11 =	vld [tilespmem:s13+$0xFFFFFFC0]  }
0x19a: {  	v8 =	vmul.f32 v12, v8;
	v12 =	vand.u32 $0x7FFFFFFF, v13;
	v19 =	vld [tilespmem:s16+$0xFFFFFFF0]  }
0x19b: {  	v3 =	vadd.f32 v3, v5;
	v5 =	vmul.f32 v14, v2;
	v21 =	vld [tilespmem:s14+$0xFFFFFFD0];
	v23 =	vadd.s32 s17, v28  }
0x19c: {  	v6 =	vmul.f32 v6, v8;
	v8 =	vmul.f32 v12, v13;
	v2 =	vld [tilespmem:s13+$0x20]  }
0x19d: {  	v3 =	vadd.f32 v10, v3;
	v13 =	vadd.s32 s17, v20;
	v12 =	vld.idx.msk [tilespmem:v22+s3+$0x0], $0xffff  }
0x19e: {  	v7 =	vmul.f32 v7, v8;
	v10 =	vsub.f32 v16, v11;
	v11 =	vld.idx.msk [tilespmem:v18+s3+$0x0], $0xffff  }
0x19f: {  	v9 =	vadd.f32 v9, v3;
	v8 =	vld.idx.msk [tilespmem:v18+s25+$0x0], $0xffff;
	v14 =	vadd.s32 s17, v19  }
0x1a0: {  	v3 =	vand.u32 $0x7FFFFFFF, v10;
	v16 =	vld.idx.msk [tilespmem:v22+s25+$0x0], $0xffff  }
0x1a1: {  	v15 =	vadd.s32 s17, v15;
	v6 =	vadd.f32 v6, v9;
	v10 =	vmul.f32 v3, v10;
	v3 =	vld.idx.msk [tilespmem:v23+s3+$0x0], $0xffff  }
0x1a2: {  	v9 =	vld.idx.msk [tilespmem:v13+s25+$0x0], $0xffff  }
0x1a3: {  	v17 =	vadd.s32 s17, v17;
	v5 =	vadd.f32 v5, v6;
	v13 =	vld.idx.msk [tilespmem:v13+s3+$0x0], $0xffff  }
0x1a4: {  	v6 =	vsub.f32 v21, v26;
	v18 =	vld.idx.msk [tilespmem:v14+s3+$0x0], $0xffff  }
0x1a5: {  	v5 =	vadd.f32 v7, v5;
	v8 =	vsub.f32 v11, v8;
	v11 =	vadd.s32 s17, v24;
	v19 =	vld.idx.msk [tilespmem:v14+s25+$0x0], $0xffff  }
0x1a6: {  	v7 =	vand.u32 $0x7FFFFFFF, v6;
	v12 =	vsub.f32 v12, v16;
	v16 =	vld.idx.msk [tilespmem:v15+s3+$0x0], $0xffff  }
0x1a7: {  	v14 =	vand.u32 $0x80000000, v8;
	vm0 =	vlt.f32 v8, $0.0e+00;
	vm1 =	vgt.f32 v8, $0.0e+00;
	v15 =	vld.idx.msk [tilespmem:v15+s25+$0x0], $0xffff  }
0x1a8: {  	v14 =	vor.u32 v14, v0;
	vm0 =	vmor vm1, vm0;
	vm1 =	vlt.f32 v12, $0.0e+00;
	v20 =	vld.idx.msk [tilespmem:v17+s3+$0x0], $0xffff  }
0x1a9: {  	v8 =	vsel vm0, v14, v8;
	vm0 =	vgt.f32 v12, $0.0e+00;
	v9 =	vsub.f32 v13, v9;
	v13 =	vld.idx.msk [tilespmem:v17+s25+$0x0], $0xffff  }
0x1aa: {  	v6 =	vmul.f32 v7, v6;
	v7 =	vand.u32 $0x80000000, v12;
	v8 =	vmul.f32 v8, v10;
	v22 =	vld.idx.msk [tilespmem:v11+s3+$0x0], $0xffff  }
0x1ab: {  	v7 =	vor.u32 v7, v0;
	vm0 =	vmor vm0, vm1;
	v24 =	vld.idx.msk [tilespmem:v11+s25+$0x0], $0xffff  }
0x1ac: {  	v7 =	vsel vm0, v7, v12;
	v5 =	vadd.f32 v8, v5;
	v8 =	vand.u32 $0x80000000, v9;
	v12 =	vld [tilespmem:s14+$0x0]  }
0x1ad: {  	vm0 =	vlt.f32 v9, $0.0e+00;
	v6 =	vmul.f32 v7, v6;
	v14 =	vor.u32 v8, v0;
	v11 =	vld [tilespmem:s13+$0xFFFFFFF0]  }
0x1ae: {  	v10 =	vsub.f32 v18, v19;
	vm1 =	vgt.f32 v9, $0.0e+00;
	v8 =	vld [tilespmem:s14+$0x10]  }
0x1af: {  	vm4 =	vmor vm1, vm0;
	v5 =	vadd.f32 v6, v5;
	v6 =	vsub.f32 v16, v15;
	v18 =	vld [tilespmem:s13+$0x0]  }
0x1b0: {  	v25 =	vand.u32 $0x80000000, v10;
	vm1 =	vlt.f32 v10, $0.0e+00;
	v15 =	vsub.f32 v20, v13;
	v17 =	vld.idx.msk [tilespmem:v23+s25+$0x0], $0xffff  }
.Ltmp5:
0x1b1: {  	vm2 =	vgt.f32 v10, $0.0e+00;
	vm0 =	vgt.f32 v6, $0.0e+00;
	v7 =	vsub.f32 v22, v24;
	v21 =	vld [tilespmem:s14+$0x20];
	(pc) =	sbr.rel @p1 .LBB2_9-.Ltmp5, $4  }
0x1b2: {  	v16 =	vand.u32 $0x80000000, v6;
	vm5 =	vlt.f32 v15, $0.0e+00;
	vm6 =	vgt.f32 v15, $0.0e+00;
	v13 =	vld [tilespmem:s13+$0x30]  }
0x1b3: {  	vm3 =	vmor vm2, vm1;
	v20 =	vld [tilespmem:s14+$0xFFFFFFF0];
	v8 =	vsub.f32 v8, v4;
	v4 =	vand.u32 $0x80000000, v15  }
0x1b4: {  	vm5 =	vmor vm6, vm5;
	vm1 =	vlt.f32 v7, $0.0e+00;
	v23 =	vld [tilespmem:s14+$0xFFFFFFE0];
	v19 =	vsub.f32 v12, v18  }
0x1b5: {  	s16 =	sadd.s32 $0x80, s16;
	v22 =	vor.u32 v25, v0;
	vm2 =	vgt.f32 v7, $0.0e+00;
	v12 =	vand.u32 $0x7FFFFFFF, v8;
	v18 =	vld [tilespmem:s14+$0x30]  }
0x1b6: {  	_ =	sdelay $0x1  }
0x1b7: {  	v3 =	vsub.f32 v3, v17  }
0x1b8: {  	v9 =	vsel vm4, v14, v9;
	v1 =	vsub.f32 v23, v1  }
0x1b9: {  	v2 =	vsub.f32 v21, v2;
	vm6 =	vlt.f32 v3, $0.0e+00;
	vm7 =	vgt.f32 v3, $0.0e+00  }
0x1ba: {  	v11 =	vsub.f32 v20, v11;
	v56 =	vand.u32 $0x80000000, v3;
	v57 =	vand.u32 $0x7FFFFFFF, v1  }
0x1bb: {  	vm13 =	vmor vm7, vm6;
	v14 =	vor.u32 v56, v0;
	v1 =	vmul.f32 v57, v1  }
0x1bc: {  	v4 =	vor.u32 v4, v0;
	v58 =	vand.u32 $0x7FFFFFFF, v11;
	v3 =	vsel vm13, v14, v3  }
0x1bd: {  	v59 =	vand.u32 $0x7FFFFFFF, v19;
	v11 =	vmul.f32 v58, v11;
	v1 =	vmul.f32 v3, v1  }
0x1be: {  	vm14 =	vlt.f32 v6, $0.0e+00;
	v3 =	vsel vm5, v4, v15;
	v4 =	vsel vm3, v22, v10  }
0x1bf: {  	v60 =	vmul.f32 v59, v19;
	v4 =	vmul.f32 v4, v11;
	v1 =	vadd.f32 v1, v5  }
0x1c0: {  	v8 =	vmul.f32 v12, v8;
	vm0 =	vmor vm0, vm14;
	v61 =	vand.u32 $0x7FFFFFFF, v2  }
0x1c1: {  	v9 =	vmul.f32 v9, v60;
	v5 =	vor.u32 v16, v0;
	v1 =	vadd.f32 v4, v1  }
0x1c2: {  	v2 =	vmul.f32 v61, v2;
	v5 =	vsel vm0, v5, v6;
	v4 =	vsub.f32 v18, v13  }
0x1c3: {  	v62 =	vand.u32 $0x80000000, v7;
	v5 =	vmul.f32 v5, v8;
	v1 =	vadd.f32 v9, v1  }
0x1c4: {  	vm15 =	vmor vm2, vm1;
	v2 =	vmul.f32 v3, v2;
	v63 =	vand.u32 $0x7FFFFFFF, v4  }
.Ltmp6:
0x1c5: {  	v6 =	vor.u32 v62, v0;
	v3 =	vmul.f32 v63, v4;
	v1 =	vadd.f32 v5, v1;
	(pc) =	sbr.rel @p0 .LBB2_12-.Ltmp6, $3  }
0x1c6: {  	v4 =	vsel vm15, v6, v7  }
0x1c7: {  	v3 =	vmul.f32 v4, v3;
	v1 =	vadd.f32 v2, v1;
	_ =	sdelay $0x1  }
0x1c8: {  	v4 =	vadd.f32 v3, v1  }
0x1c9: {  	s12 =	sadd.s32 s12, s21  }
0x1ca: {  	s12 =	sshrl.u32 s12, $0x3  }
0x1cb: {  	s13 =	sadd.s32 s1, s12  }
0x1cc: {  	[tilespmem:s3], [sflag:$0x4] =	stream.linear.gather [hbm4b:s13+s5], $0x2000, $0x38;
	[tilespmem:$0x18080] =	vst v63  }
.Ltmp7:
0x1cd: {  	_ = 	snop;
	(pc) =	sbr.rel .LBB2_2-.Ltmp7, $4  }
0x1ce: {  	s17 =	sadd.s32 s2, s12  }
0x1cf: {  	[tilespmem:s25], [sflag:$0x4] =	stream.linear.gather [hbm4b:s17+s5], $0x2000, $0x38;
	[tilespmem:$0x18080] =	vst v63  }
0x1d0: {  	s11 =	sadd.s32 $0x1, s11;
	s12 =	sadd.s32 s4, s12  }
0x1d1: {  	[tilespmem:s29], [sflag:$0x4] =	stream.linear.gather [hbm4b:s12+s5], $0x2000, $0x38;
	[tilespmem:$0x18080] =	vst v63  }
.LBB2_13:
0x1d2: {  	_ =	sfence.sel $0x180000  }
0x1d3: {  	[bflag:$0x0] =	sbarrier.arrive $0xFFFF  }
0x1d4: {  	_ =	strace $0x90000047  }
0x1d5: {  	s0 =	stileid.u32;
	[bflag:$0x2] =	sbarrier.arrive $0xFFFF  }
0x1d6: {  	p0 =	sne.s32 s0, $0x0;
	s0 =	rddreg [dreg:$0x4]  }
0x1d7: {  	s0 =	sadd.s32 @!p0 $0x100000, s0  }
0x1d8: {  	[sflag:s0] =	ssyncadd.tile.s32 @!p0 $0x1;
	_ =	shalt  }
.Lfunc_end2:
_tile_overlayer_lowered:
.L_overlay_start_2:
0x1d9: {  	(tag) =	ssettag $0x2  }
0x1da: {  	s0 =	rddreg [dreg:$0x0];
	s2 =	stileid.u32  }
0x1db: {  	s1 =	rddreg [dreg:$0x1];
	p0 =	sne.s32 s2, $0x0  }
0x1dc: {  	s3 =	rddreg [dreg:$0x2];
	[bflag:$0x3] =	sbarrier.arrive $0xFFFF;
	s2 =	simm.s32 @!p0 $0x1C05  }
0x1dd: {  	[timem:s3], [sflag:s2] =	dma.local @!p0 [hbm:s0], s1  }
0x1de: {  	s0 =	simm.s32 @!p0 $0x5  }
0x1df: {  	_ =	swait.ge @!p0 [sflag:s0], s1  }
0x1e0: {  	s1 =	ssub.s32 @!p0 $0x0, s1;
	[sflag:s0] =	ssyncset.done @!p0 $0x0  }
0x1e1: {  	[sflag:s0] =	ssyncadd.s32 @!p0 s1  }
0x1e2: {  	[bflag:$0x3] =	sbarrier.arrive $0xFFFF  }
0x1e3: {  	_ =	shalt  }

</sc_bundles>
